<compile_context>
chip_gen: v7x
topology: tpu7x:2x2x1
jax: 0.10.2.dev20260603
libtpu: 0.0.44.dev20260713+nightly
codegen_flags: <defaults>
</compile_context>

<pallas_src>
import jax
import jax.numpy as jnp
from jax import lax
from jax.experimental import pallas as pl
from jax.experimental.pallas import tpu as pltpu
from jax.experimental.pallas import tpu_sc as plsc

_B, _K, _N, _H, _W = 2, 128, 4096, 512, 512
_NCLS = 10
_NC, _NS = 2, 16
_NW = _NC * _NS
_NLOC = (_B * _N) // _NW
_NGRP = _NLOC // 16
_TNL = 512
_NCH = _N // _TNL


def _rsqrt(s):
    i = plsc.bitcast(s, jnp.int32)
    i = jnp.int32(0x5F3759DF) - (i >> 1)
    y = plsc.bitcast(i, jnp.float32)
    for _ in range(2):
        y = y * (jnp.float32(1.5) - jnp.float32(0.5) * s * y * y)
    return y


def _splat(v):
    return jnp.full((16,), v, jnp.int32)




def _assign_body(boxes_ref, s2_ref, bidx_ref, macc_ref):
    bx = boxes_ref[0]
    l = bx[:, 0:1]
    t = bx[:, 1:2]
    r = bx[:, 2:3]
    bo = bx[:, 3:4]
    mx = (l + r) * 0.5
    my = (t + bo) * 0.5
    wk2 = (r - l) * 0.5
    hk2 = (bo - t) * 0.5
    wk2s = wk2 * wk2
    hk2s = hk2 * hk2
    sub_iota = lax.broadcasted_iota(jnp.int32, (_K, _TNL), 0)
    big = jnp.int32(1 << 30)
    bidx_rows = []
    macc_rows = []
    for c in range(_NCH):
        sx = s2_ref[0, 0:1, pl.ds(c * _TNL, _TNL)]
        sy = s2_ref[0, 1:2, pl.ds(c * _TNL, _TNL)]
        du = jnp.broadcast_to(mx, (_K, _TNL)) - jnp.broadcast_to(sx, (_K, _TNL))
        dv = jnp.broadcast_to(my, (_K, _TNL)) - jnp.broadcast_to(sy, (_K, _TNL))
        du2 = du * du
        dv2 = dv * dv
        d2 = du2 + dv2
        m = jnp.maximum(du2 - jnp.broadcast_to(wk2s, (_K, _TNL)),
                        dv2 - jnp.broadcast_to(hk2s, (_K, _TNL)))
        cmin = jnp.min(d2, axis=0, keepdims=True)
        idx = jnp.min(jnp.where(d2 == cmin, sub_iota, big), axis=0)
        mmin = jnp.min(m, axis=0)
        bidx_rows.append(idx.reshape(_TNL // 128, 128))
        macc_rows.append(mmin.reshape(_TNL // 128, 128))
    bidx_ref[...] = jnp.concatenate(bidx_rows, axis=0)
    macc_ref[...] = jnp.concatenate(macc_rows, axis=0)


def _assign(bboxes_2d, s2_3d):
    rows_per_b = _N // 128
    return pl.pallas_call(
        _assign_body,
        grid=(_B,),
        in_specs=[
            pl.BlockSpec((1, _K, 6), lambda b: (b, 0, 0)),
            pl.BlockSpec((1, 2, _N), lambda b: (b, 0, 0)),
        ],
        out_specs=[
            pl.BlockSpec((rows_per_b, 128), lambda b: (b, 0)),
            pl.BlockSpec((rows_per_b, 128), lambda b: (b, 0)),
        ],
        out_shape=[
            jax.ShapeDtypeStruct((_B * rows_per_b, 128), jnp.int32),
            jax.ShapeDtypeStruct((_B * rows_per_b, 128), jnp.float32),
        ],
    )(bboxes_2d, s2_3d)




def _fuse_body(boxes_hbm, s2_hbm, s3_hbm, img_hbm, fu_hbm, bidx_hbm,
               macc_hbm, out_hbm, boxes_v, midx_v, midy_v, s2_v, s3_v,
               fu_v, idx_v, txt_v, bidx_v, macc_v, out_v, sem, sem_in,
               sem_in2):
    wid = lax.axis_index("s") * _NC + lax.axis_index("c")
    b = wid // _NS
    base = (wid % _NS) * _NLOC

    grp_a = [pltpu.async_copy(boxes_hbm.at[pl.ds(b * 6 * _K, 6 * _K)],
                              boxes_v, sem_in)]
    for rr in range(2):
        grp_a.append(pltpu.async_copy(
            s2_hbm.at[pl.ds((b * 2 + rr) * _N + base, _NLOC)],
            s2_v.at[pl.ds(rr * _NLOC, _NLOC)], sem_in))
    grp_b = [
        pltpu.async_copy(fu_hbm.at[pl.ds(b * 16, 16)], fu_v, sem_in2),
        pltpu.async_copy(bidx_hbm.at[pl.ds(b * _N + base, _NLOC)], bidx_v,
                         sem_in2),
        pltpu.async_copy(macc_hbm.at[pl.ds(b * _N + base, _NLOC)], macc_v,
                         sem_in2),
    ]
    for rr in range(3):
        grp_b.append(pltpu.async_copy(
            s3_hbm.at[pl.ds((b * 3 + rr) * _N + base, _NLOC)],
            s3_v.at[pl.ds(rr * _NLOC, _NLOC)], sem_in2))
    for cp in grp_a:
        cp.wait()

    iota = jnp.arange(16, dtype=jnp.int32)
    chan0 = b * 3 * (_H * _W)

    def geom_body(i, _):
        o = i * 16
        l = boxes_v[pl.ds(0 * _K + o, 16)]
        t = boxes_v[pl.ds(1 * _K + o, 16)]
        r = boxes_v[pl.ds(2 * _K + o, 16)]
        bo = boxes_v[pl.ds(3 * _K + o, 16)]
        midx_v[pl.ds(o, 16)] = (l + r) * 0.5
        midy_v[pl.ds(o, 16)] = (t + bo) * 0.5
        return 0

    lax.fori_loop(0, _K // 16, geom_body, 0)

    def pix_body(g, _):
        o = g * 16
        xi = s2_v[pl.ds(o, 16)].astype(jnp.int32)
        yi = s2_v[pl.ds(_NLOC + o, 16)].astype(jnp.int32)
        pix = jnp.minimum(jnp.maximum(yi * _W + xi, 0), _H * _W - 1)
        for c in range(3):
            idx_v[pl.ds(c * _NLOC + o, 16)] = pix + (chan0 + c * (_H * _W))
        return 0

    lax.fori_loop(0, _NGRP, pix_body, 0)
    copies = []
    for r in range(6):
        copies.append(pltpu.async_copy(
            img_hbm.at[idx_v.at[pl.ds(r * 128, 128)]],
            txt_v.at[pl.ds(r * 128, 128)], sem))

    for cp in grp_b:
        cp.wait()

    ifu = 1.0 / fu_v[...]

    def feat_body(g, _):
        o = g * 16
        sx = s2_v[pl.ds(o, 16)]
        sy = s2_v[pl.ds(_NLOC + o, 16)]
        x3 = s3_v[pl.ds(o, 16)]
        y3 = s3_v[pl.ds(_NLOC + o, 16)]
        z3 = s3_v[pl.ds(2 * _NLOC + o, 16)]
        bidx = bidx_v[pl.ds(o, 16)]
        valid = macc_v[pl.ds(o, 16)] < 0.0
        mxa = plsc.load_gather(midx_v, [bidx])
        mya = plsc.load_gather(midy_v, [bidx])
        confa = plsc.load_gather(boxes_v, [bidx + 4 * _K])
        clsa = plsc.load_gather(boxes_v, [bidx + 5 * _K])
        du = mxa - sx
        dv = mya - sy
        zdf = z3 * ifu
        g2 = du * zdf + x3
        g3 = dv * zdf + y3
        inv = _rsqrt(g2 * g2 + g3 * g3 + z3 * z3)
        rows = iota + o
        zf = jnp.zeros((16,), jnp.float32)
        for c in range(_NCLS):
            val = jnp.where(valid & (clsa == float(c)), confa, zf)
            plsc.store_scatter(out_v, [rows, _splat(c)], val)
        geo = (g2, g3, g2 * inv, g3 * inv, z3 * inv)
        for c in range(5):
            val = jnp.where(valid, geo[c], zf)
            plsc.store_scatter(out_v, [rows, _splat(13 + c)], val)
        return 0

    lax.fori_loop(0, _NGRP, feat_body, 0, unroll=2)

    for cp in copies:
        cp.wait()

    def txt_body(g, _):
        o = g * 16
        valid = macc_v[pl.ds(o, 16)] < 0.0
        rows = iota + o
        zf = jnp.zeros((16,), jnp.float32)
        for c in range(3):
            val = jnp.where(valid, txt_v[pl.ds(c * _NLOC + o, 16)], zf)
            plsc.store_scatter(out_v, [rows, _splat(10 + c)], val)
        return 0

    half = _NLOC // 2
    lax.fori_loop(0, _NGRP // 2, txt_body, 0, unroll=2)
    out_cp = pltpu.async_copy(
        out_v.at[pl.ds(0, half), :],
        out_hbm.at[b, pl.ds(base, half), :], sem_in)
    lax.fori_loop(_NGRP // 2, _NGRP, txt_body, 0, unroll=2)
    out_cp.wait()
    pltpu.sync_copy(out_v.at[pl.ds(half, half), :],
                    out_hbm.at[b, pl.ds(base + half, half), :])


def _fuse(boxes_t, s2_t, s3_t, img_flat, fu_tile, bidx, macc):
    run = pl.kernel(
        _fuse_body,
        out_type=jax.ShapeDtypeStruct((_B, _N, 18), jnp.float32),
        mesh=plsc.VectorSubcoreMesh(
            core_axis_name="c", subcore_axis_name="s",
            num_cores=_NC, num_subcores=_NS),
        compiler_params=pltpu.CompilerParams(needs_layout_passes=False),
        scratch_types=[
            pltpu.VMEM((6 * _K,), jnp.float32),
            pltpu.VMEM((_K,), jnp.float32),
            pltpu.VMEM((_K,), jnp.float32),
            pltpu.VMEM((2 * _NLOC,), jnp.float32),
            pltpu.VMEM((3 * _NLOC,), jnp.float32),
            pltpu.VMEM((16,), jnp.float32),
            pltpu.VMEM((3 * _NLOC,), jnp.int32),
            pltpu.VMEM((3 * _NLOC,), jnp.float32),
            pltpu.VMEM((_NLOC,), jnp.int32),
            pltpu.VMEM((_NLOC,), jnp.float32),
            pltpu.VMEM((_NLOC, 18), jnp.float32),
            pltpu.SemaphoreType.DMA,
            pltpu.SemaphoreType.DMA,
            pltpu.SemaphoreType.DMA,
        ],
    )
    return run(boxes_t, s2_t, s3_t, img_flat, fu_tile,
               bidx.reshape(-1), macc.reshape(-1))


@jax.jit
def _vote_fusion(img, bboxes_2d, seeds_3d, seeds_2d, calib_K):
    s2_3d = jnp.transpose(seeds_2d, (0, 2, 1))
    bidx, macc = _assign(bboxes_2d, s2_3d)
    boxes_t = jnp.transpose(bboxes_2d, (0, 2, 1)).reshape(-1)
    s3_t = jnp.transpose(seeds_3d, (0, 2, 1)).reshape(-1)
    fu_tile = jnp.broadcast_to(calib_K[:, 0:1, 0], (_B, 16)).reshape(-1)
    return _fuse(boxes_t, s2_3d.reshape(-1), s3_t, img.reshape(-1),
                 fu_tile, bidx, macc)


def kernel(img, bboxes_2d, seeds_3d, seeds_2d, calib_K):
    return _vote_fusion(img, bboxes_2d, seeds_3d, seeds_2d, calib_K)

# --- scband reference (transcript-rebuilt; emitter-appended) ---
"""Pipeline reference for scband-vote-fusion-11587821765298 (READ-ONLY COPY).

The authoritative reference and input builder live on the scoring server;
editing this copy changes nothing except your own understanding.
"""

import jax, jax.numpy as jnp
import numpy as np

NUM_CLASSES = 10
B, K, N, H, W = 2, 128, 4096, 512, 512


def setup_inputs(seed: int = 0) -> dict:
    key = jax.random.key(seed)
    ks = jax.random.split(key, 10)
    img = jax.random.uniform(ks[0], (B, 3, H, W), dtype=jnp.float32)
    cx = jax.random.uniform(ks[1], (B, K, 1), minval=0.0, maxval=float(W))
    cy = jax.random.uniform(ks[2], (B, K, 1), minval=0.0, maxval=float(H))
    bw = jax.random.uniform(ks[3], (B, K, 1), minval=20.0, maxval=220.0)
    bh = jax.random.uniform(ks[4], (B, K, 1), minval=20.0, maxval=220.0)
    l = jnp.clip(cx - bw / 2.0, 0.0, W - 1.0)
    r = jnp.clip(cx + bw / 2.0, 1.0, float(W))
    t = jnp.clip(cy - bh / 2.0, 0.0, H - 1.0)
    b = jnp.clip(cy + bh / 2.0, 1.0, float(H))
    conf = jax.random.uniform(ks[5], (B, K, 1), dtype=jnp.float32)
    cls = jax.random.randint(ks[6], (B, K, 1), 0, NUM_CLASSES).astype(jnp.float32)
    bboxes_2d = jnp.concatenate([l, t, r, b, conf, cls], axis=-1)
    xy3 = jax.random.uniform(ks[7], (B, N, 2), minval=-3.0, maxval=3.0)
    z3 = jax.random.uniform(ks[8], (B, N, 1), minval=1.0, maxval=8.0)
    seeds_3d = jnp.concatenate([xy3, z3], axis=-1)
    s2x = jax.random.uniform(ks[9], (B, N, 1), minval=0.0, maxval=W - 1.0)
    s2y = jax.random.uniform(jax.random.fold_in(key, 99), (B, N, 1), minval=0.0, maxval=H - 1.0)
    seeds_2d = jnp.concatenate([s2x, s2y], axis=-1)
    Kmat = jnp.array([[529.5, 0.0, W / 2.0], [0.0, 529.5, H / 2.0], [0.0, 0.0, 1.0]], dtype=jnp.float32)
    calib_K = jnp.tile(Kmat[None], (B, 1, 1))
    return {"img": img, "bboxes_2d": bboxes_2d, "seeds_3d": seeds_3d, "seeds_2d": seeds_2d, "calib_K": calib_K}


def _fuse_single(img, bbox, seed_3d, seed_2d, Kmat):
    C = img.shape[0]
    Nn = seed_2d.shape[0]
    Kb = bbox.shape[0]
    f_u = Kmat[0, 0]
    bbox_e = jnp.broadcast_to(bbox[None, :, :], (Nn, Kb, 6))
    s2d_e = jnp.broadcast_to(seed_2d[:, None, :], (Nn, Kb, 2))
    s3d_e = jnp.broadcast_to(seed_3d[:, None, :], (Nn, Kb, 3))
    sx = s2d_e[..., 0:1]
    sy = s2d_e[..., 1:2]
    l = bbox_e[..., 0:1]
    t = bbox_e[..., 1:2]
    r = bbox_e[..., 2:3]
    b = bbox_e[..., 3:4]
    conf = bbox_e[..., 4:5]
    cls = bbox_e[..., 5:6]
    midx = (l + r) / 2.0
    midy = (t + b) / 2.0
    in_x = (sx > l) & (sx < r)
    in_y = (sy > t) & (sy < b)
    in_bbox = (in_x & in_y).astype(jnp.float32)
    # semantic cue: scatter conf into class slot (equiv. to torch scatter on one-hot)
    cls_idx = jax.lax.stop_gradient(cls[..., 0]).astype(jnp.int32)
    sem_cue = jax.nn.one_hot(cls_idx, NUM_CLASSES, dtype=jnp.float32) * conf
    # texture cue: gather RGB at (rounded) seed pixel locations from flattened image
    s2d_i = jax.lax.stop_gradient(seed_2d).astype(jnp.int32)
    flat_idx = jnp.clip(s2d_i[:, 1] * W + s2d_i[:, 0], 0, H * W - 1)
    img_flat = img.reshape(C, H * W)
    txt = jnp.take(img_flat, flat_idx, axis=1).T  # [N, 3]
    txt_cue = jnp.broadcast_to(txt[:, None, :], (Nn, Kb, C))
    # geometric cue: lift 2D offset to 3D via pinhole model
    du = midx - sx
    dv = midy - sy
    x3 = s3d_e[..., 0:1]
    y3 = s3d_e[..., 1:2]
    z3 = s3d_e[..., 2:3]
    zdf = z3 / f_u
    g0 = du * zdf
    g1 = dv * zdf
    g2 = g0 + x3
    g3 = g1 + y3
    g4 = z3
    geo_xy = jnp.concatenate([g2, g3], axis=-1)
    geo_vec = jnp.concatenate([g2, g3, g4], axis=-1)
    geo_vec = geo_vec / jnp.linalg.norm(geo_vec, axis=-1, keepdims=True)
    geo_cue = jnp.concatenate([geo_xy, geo_vec], axis=-1)  # [N, K, 5]
    all_cue = jnp.concatenate([sem_cue, txt_cue, geo_cue], axis=-1)  # [N, K, 18]
    # nearest-box assignment (argmin over pairwise squared 2D distance) = 1-NN retrieval
    dist2 = (du * du + dv * dv)[..., 0]
    box_asgn = jnp.argmin(jax.lax.stop_gradient(dist2), axis=1)  # [N]
    pos = jnp.take_along_axis(all_cue, box_asgn[:, None, None], axis=1)[:, 0, :]  # [N, 18]
    valid = jnp.sum(in_bbox[..., 0], axis=1, keepdims=True) > 0
    feat = jnp.where(jnp.broadcast_to(valid, pos.shape), pos, jnp.zeros_like(pos))
    return feat


def reference(img, bboxes_2d, seeds_3d, seeds_2d, calib_K):
    return jax.vmap(_fuse_single)(img, bboxes_2d, seeds_3d, seeds_2d, calib_K)

if __name__ == "__main__":
    import jax
    _d = setup_inputs()
    print(jax.jit(kernel)(*tuple(_d.values())))

</pallas_src>

<mosaic_0001>
#map = affine_map<(d0, d1) -> (0)>
#map1 = affine_map<(d0, d1) -> (0, 0, 0)>
module attributes {stable_mosaic.version = 14 : i64} {
  func.func @_fuse_body(%arg0: i32, %arg1: i32, %arg2: memref<1536xf32, #tpu.memory_space<hbm>>, %arg3: memref<16384xf32, #tpu.memory_space<hbm>>, %arg4: memref<24576xf32, #tpu.memory_space<hbm>>, %arg5: memref<1572864xf32, #tpu.memory_space<hbm>>, %arg6: memref<32xf32, #tpu.memory_space<hbm>>, %arg7: memref<8192xi32, #tpu.memory_space<hbm>>, %arg8: memref<8192xf32, #tpu.memory_space<hbm>>, %arg9: memref<2x4096x18xf32, #tpu.memory_space<hbm>>, %arg10: memref<768xf32, #tpu.memory_space<vmem>>, %arg11: memref<128xf32, #tpu.memory_space<vmem>>, %arg12: memref<128xf32, #tpu.memory_space<vmem>>, %arg13: memref<512xf32, #tpu.memory_space<vmem>>, %arg14: memref<768xf32, #tpu.memory_space<vmem>>, %arg15: memref<16xf32, #tpu.memory_space<vmem>>, %arg16: memref<768xi32, #tpu.memory_space<vmem>>, %arg17: memref<768xf32, #tpu.memory_space<vmem>>, %arg18: memref<256xi32, #tpu.memory_space<vmem>>, %arg19: memref<256xf32, #tpu.memory_space<vmem>>, %arg20: memref<256x18xf32, #tpu.memory_space<vmem>>, %arg21: memref<!tpu.dma_semaphore, #tpu.memory_space<semaphore_mem>>, %arg22: memref<!tpu.dma_semaphore, #tpu.memory_space<semaphore_mem>>, %arg23: memref<!tpu.dma_semaphore, #tpu.memory_space<semaphore_mem>>) attributes {dimension_semantics = [#tpu.dimension_semantics<core_parallel>, #tpu.dimension_semantics<subcore_parallel>], iteration_bounds = array<i64: 2, 16>, scalar_prefetch = 0 : i64, scratch_operands = 14 : i64, tpu.core_type = #tpu.core_type<sc_vector_subcore>, window_params = [{transform_indices = #map}, {transform_indices = #map}, {transform_indices = #map}, {transform_indices = #map}, {transform_indices = #map}, {transform_indices = #map}, {transform_indices = #map}, {transform_indices = #map1}]} {
    %mul3A = arith.constant 2 : i32
    %mul3A_0 = arith.muli %arg1, %mul3A : i32
    %add3A = arith.addi %mul3A_0, %arg0 : i32
    %jit3A = arith.constant 16 : i32
    %div3A = arith.divsi %add3A, %jit3A : i32
    %sign3A = arith.constant 0 : i32
    %sign3A_1 = arith.cmpi sgt, %add3A, %sign3A : i32
    %sign3A_2 = arith.extui %sign3A_1 : i1 to i32
    %sign3A_3 = arith.constant 0 : i32
    %sign3A_4 = arith.cmpi slt, %add3A, %sign3A_3 : i32
    %sign3A_5 = arith.extui %sign3A_4 : i1 to i32
    %sign3A_6 = arith.subi %sign3A_2, %sign3A_5 : i32
    %sign3A_7 = arith.constant 0 : i32
    %sign3A_8 = arith.cmpi sgt, %jit3A, %sign3A_7 : i32
    %sign3A_9 = arith.extui %sign3A_8 : i1 to i32
    %sign3A_10 = arith.constant 0 : i32
    %sign3A_11 = arith.cmpi slt, %jit3A, %sign3A_10 : i32
    %sign3A_12 = arith.extui %sign3A_11 : i1 to i32
    %sign3A_13 = arith.subi %sign3A_9, %sign3A_12 : i32
    %ne3A = arith.cmpi ne, %sign3A_6, %sign3A_13 : i32
    %rem3A = arith.remsi %add3A, %jit3A : i32
    %ne3A_14 = arith.constant 0 : i32
    %ne3A_15 = arith.cmpi ne, %rem3A, %ne3A_14 : i32
    %and3A = arith.andi %ne3A, %ne3A_15 : i1
    %sub3A = arith.constant 1 : i32
    %sub3A_16 = arith.subi %div3A, %sub3A : i32
    %select_n3A = arith.select %and3A, %sub3A_16, %div3A : i32
    %jit3A_17 = arith.constant 16 : i32
    %eq3A = arith.constant 0 : i32
    %eq3A_18 = arith.cmpi eq, %jit3A_17, %eq3A : i32
    %jit3A_19 = arith.constant 1 : i32
    %select_n3A_20 = arith.select %eq3A_18, %jit3A_19, %jit3A_17 : i32
    %rem3A_21 = arith.remsi %add3A, %select_n3A_20 : i32
    %ne3A_22 = arith.constant 0 : i32
    %ne3A_23 = arith.cmpi ne, %rem3A_21, %ne3A_22 : i32
    %lt3A = arith.constant 0 : i32
    %lt3A_24 = arith.cmpi slt, %rem3A_21, %lt3A : i32
    %lt3A_25 = arith.constant 0 : i32
    %lt3A_26 = arith.cmpi slt, %select_n3A_20, %lt3A_25 : i32
    %ne3A_27 = arith.xori %lt3A_24, %lt3A_26 : i1
    %and3A_28 = arith.andi %ne3A_27, %ne3A_23 : i1
    %add3A_29 = arith.addi %rem3A_21, %select_n3A_20 : i32
    %select_n3A_30 = arith.select %and3A_28, %add3A_29, %rem3A_21 : i32
    %mul3A_31 = arith.constant 256 : i32
    %mul3A_32 = arith.muli %select_n3A_30, %mul3A_31 : i32
    %mul3A_33 = arith.constant 6 : i32
    %mul3A_34 = arith.muli %select_n3A, %mul3A_33 : i32
    %mul3A_35 = arith.constant 128 : i32
    %mul3A_36 = arith.muli %mul3A_34, %mul3A_35 : i32
    %dma_start3A = tpu.memref_slice %arg2[%mul3A_36] : memref<1536xf32, #tpu.memory_space<hbm>> -> memref<768xf32, #tpu.memory_space<hbm>>
    %dma_start3A_37 = tpu.memref_slice %arg2[%mul3A_36] : memref<1536xf32, #tpu.memory_space<hbm>> -> memref<768xf32, #tpu.memory_space<hbm>>
    tpu.enqueue_dma source(%dma_start3A_37 : memref<768xf32, #tpu.memory_space<hbm>>) target(%arg10 : memref<768xf32, #tpu.memory_space<vmem>>) target_semaphore(%arg22 : memref<!tpu.dma_semaphore, #tpu.memory_space<semaphore_mem>>)
    %mul3A_38 = arith.constant 2 : i32
    %mul3A_39 = arith.muli %select_n3A, %mul3A_38 : i32
    %add3A_40 = arith.constant 0 : i32
    %add3A_41 = arith.addi %mul3A_39, %add3A_40 : i32
    %mul3A_42 = arith.constant 4096 : i32
    %mul3A_43 = arith.muli %add3A_41, %mul3A_42 : i32
    %add3A_44 = arith.addi %mul3A_43, %mul3A_32 : i32
    %dma_start3A_45 = arith.constant 0 : i32
    %dma_start3A_46 = tpu.memref_slice %arg13[%dma_start3A_45] : memref<512xf32, #tpu.memory_space<vmem>> -> memref<256xf32, #tpu.memory_space<vmem>>
    %dma_start3A_47 = tpu.memref_slice %arg3[%add3A_44] : memref<16384xf32, #tpu.memory_space<hbm>> -> memref<256xf32, #tpu.memory_space<hbm>>
    %dma_start3A_48 = arith.constant 0 : i32
    %dma_start3A_49 = tpu.memref_slice %arg13[%dma_start3A_48] : memref<512xf32, #tpu.memory_space<vmem>> -> memref<256xf32, #tpu.memory_space<vmem>>
    %dma_start3A_50 = tpu.memref_slice %arg3[%add3A_44] : memref<16384xf32, #tpu.memory_space<hbm>> -> memref<256xf32, #tpu.memory_space<hbm>>
    tpu.enqueue_dma source(%dma_start3A_50 : memref<256xf32, #tpu.memory_space<hbm>>) target(%dma_start3A_49 : memref<256xf32, #tpu.memory_space<vmem>>) target_semaphore(%arg22 : memref<!tpu.dma_semaphore, #tpu.memory_space<semaphore_mem>>)
    %mul3A_51 = arith.constant 2 : i32
    %mul3A_52 = arith.muli %select_n3A, %mul3A_51 : i32
    %add3A_53 = arith.constant 1 : i32
    %add3A_54 = arith.addi %mul3A_52, %add3A_53 : i32
    %mul3A_55 = arith.constant 4096 : i32
    %mul3A_56 = arith.muli %add3A_54, %mul3A_55 : i32
    %add3A_57 = arith.addi %mul3A_56, %mul3A_32 : i32
    %dma_start3A_58 = arith.constant 256 : i32
    %dma_start3A_59 = tpu.memref_slice %arg13[%dma_start3A_58] : memref<512xf32, #tpu.memory_space<vmem>> -> memref<256xf32, #tpu.memory_space<vmem>>
    %dma_start3A_60 = tpu.memref_slice %arg3[%add3A_57] : memref<16384xf32, #tpu.memory_space<hbm>> -> memref<256xf32, #tpu.memory_space<hbm>>
    %dma_start3A_61 = arith.constant 256 : i32
    %dma_start3A_62 = tpu.memref_slice %arg13[%dma_start3A_61] : memref<512xf32, #tpu.memory_space<vmem>> -> memref<256xf32, #tpu.memory_space<vmem>>
    %dma_start3A_63 = tpu.memref_slice %arg3[%add3A_57] : memref<16384xf32, #tpu.memory_space<hbm>> -> memref<256xf32, #tpu.memory_space<hbm>>
    tpu.enqueue_dma source(%dma_start3A_63 : memref<256xf32, #tpu.memory_space<hbm>>) target(%dma_start3A_62 : memref<256xf32, #tpu.memory_space<vmem>>) target_semaphore(%arg22 : memref<!tpu.dma_semaphore, #tpu.memory_space<semaphore_mem>>)
    %mul3A_64 = arith.constant 16 : i32
    %mul3A_65 = arith.muli %select_n3A, %mul3A_64 : i32
    %dma_start3A_66 = tpu.memref_slice %arg6[%mul3A_65] : memref<32xf32, #tpu.memory_space<hbm>> -> memref<16xf32, #tpu.memory_space<hbm>>
    %dma_start3A_67 = tpu.memref_slice %arg6[%mul3A_65] : memref<32xf32, #tpu.memory_space<hbm>> -> memref<16xf32, #tpu.memory_space<hbm>>
    tpu.enqueue_dma source(%dma_start3A_67 : memref<16xf32, #tpu.memory_space<hbm>>) target(%arg15 : memref<16xf32, #tpu.memory_space<vmem>>) target_semaphore(%arg23 : memref<!tpu.dma_semaphore, #tpu.memory_space<semaphore_mem>>)
    %mul3A_68 = arith.constant 4096 : i32
    %mul3A_69 = arith.muli %select_n3A, %mul3A_68 : i32
    %add3A_70 = arith.addi %mul3A_69, %mul3A_32 : i32
    %dma_start3A_71 = tpu.memref_slice %arg7[%add3A_70] : memref<8192xi32, #tpu.memory_space<hbm>> -> memref<256xi32, #tpu.memory_space<hbm>>
    %dma_start3A_72 = tpu.memref_slice %arg7[%add3A_70] : memref<8192xi32, #tpu.memory_space<hbm>> -> memref<256xi32, #tpu.memory_space<hbm>>
    tpu.enqueue_dma source(%dma_start3A_72 : memref<256xi32, #tpu.memory_space<hbm>>) target(%arg18 : memref<256xi32, #tpu.memory_space<vmem>>) target_semaphore(%arg23 : memref<!tpu.dma_semaphore, #tpu.memory_space<semaphore_mem>>)
    %mul3A_73 = arith.constant 4096 : i32
    %mul3A_74 = arith.muli %select_n3A, %mul3A_73 : i32
    %add3A_75 = arith.addi %mul3A_74, %mul3A_32 : i32
    %dma_start3A_76 = tpu.memref_slice %arg8[%add3A_75] : memref<8192xf32, #tpu.memory_space<hbm>> -> memref<256xf32, #tpu.memory_space<hbm>>
    %dma_start3A_77 = tpu.memref_slice %arg8[%add3A_75] : memref<8192xf32, #tpu.memory_space<hbm>> -> memref<256xf32, #tpu.memory_space<hbm>>
    tpu.enqueue_dma source(%dma_start3A_77 : memref<256xf32, #tpu.memory_space<hbm>>) target(%arg19 : memref<256xf32, #tpu.memory_space<vmem>>) target_semaphore(%arg23 : memref<!tpu.dma_semaphore, #tpu.memory_space<semaphore_mem>>)
    %mul3A_78 = arith.constant 3 : i32
    %mul3A_79 = arith.muli %select_n3A, %mul3A_78 : i32
    %add3A_80 = arith.constant 0 : i32
    %add3A_81 = arith.addi %mul3A_79, %add3A_80 : i32
    %mul3A_82 = arith.constant 4096 : i32
    %mul3A_83 = arith.muli %add3A_81, %mul3A_82 : i32
    %add3A_84 = arith.addi %mul3A_83, %mul3A_32 : i32
    %dma_start3A_85 = arith.constant 0 : i32
    %dma_start3A_86 = tpu.memref_slice %arg14[%dma_start3A_85] : memref<768xf32, #tpu.memory_space<vmem>> -> memref<256xf32, #tpu.memory_space<vmem>>
    %dma_start3A_87 = tpu.memref_slice %arg4[%add3A_84] : memref<24576xf32, #tpu.memory_space<hbm>> -> memref<256xf32, #tpu.memory_space<hbm>>
    %dma_start3A_88 = arith.constant 0 : i32
    %dma_start3A_89 = tpu.memref_slice %arg14[%dma_start3A_88] : memref<768xf32, #tpu.memory_space<vmem>> -> memref<256xf32, #tpu.memory_space<vmem>>
    %dma_start3A_90 = tpu.memref_slice %arg4[%add3A_84] : memref<24576xf32, #tpu.memory_space<hbm>> -> memref<256xf32, #tpu.memory_space<hbm>>
    tpu.enqueue_dma source(%dma_start3A_90 : memref<256xf32, #tpu.memory_space<hbm>>) target(%dma_start3A_89 : memref<256xf32, #tpu.memory_space<vmem>>) target_semaphore(%arg23 : memref<!tpu.dma_semaphore, #tpu.memory_space<semaphore_mem>>)
    %mul3A_91 = arith.constant 3 : i32
    %mul3A_92 = arith.muli %select_n3A, %mul3A_91 : i32
    %add3A_93 = arith.constant 1 : i32
    %add3A_94 = arith.addi %mul3A_92, %add3A_93 : i32
    %mul3A_95 = arith.constant 4096 : i32
    %mul3A_96 = arith.muli %add3A_94, %mul3A_95 : i32
    %add3A_97 = arith.addi %mul3A_96, %mul3A_32 : i32
    %dma_start3A_98 = arith.constant 256 : i32
    %dma_start3A_99 = tpu.memref_slice %arg14[%dma_start3A_98] : memref<768xf32, #tpu.memory_space<vmem>> -> memref<256xf32, #tpu.memory_space<vmem>>
    %dma_start3A_100 = tpu.memref_slice %arg4[%add3A_97] : memref<24576xf32, #tpu.memory_space<hbm>> -> memref<256xf32, #tpu.memory_space<hbm>>
    %dma_start3A_101 = arith.constant 256 : i32
    %dma_start3A_102 = tpu.memref_slice %arg14[%dma_start3A_101] : memref<768xf32, #tpu.memory_space<vmem>> -> memref<256xf32, #tpu.memory_space<vmem>>
    %dma_start3A_103 = tpu.memref_slice %arg4[%add3A_97] : memref<24576xf32, #tpu.memory_space<hbm>> -> memref<256xf32, #tpu.memory_space<hbm>>
    tpu.enqueue_dma source(%dma_start3A_103 : memref<256xf32, #tpu.memory_space<hbm>>) target(%dma_start3A_102 : memref<256xf32, #tpu.memory_space<vmem>>) target_semaphore(%arg23 : memref<!tpu.dma_semaphore, #tpu.memory_space<semaphore_mem>>)
    %mul3A_104 = arith.constant 3 : i32
    %mul3A_105 = arith.muli %select_n3A, %mul3A_104 : i32
    %add3A_106 = arith.constant 2 : i32
    %add3A_107 = arith.addi %mul3A_105, %add3A_106 : i32
    %mul3A_108 = arith.constant 4096 : i32
    %mul3A_109 = arith.muli %add3A_107, %mul3A_108 : i32
    %add3A_110 = arith.addi %mul3A_109, %mul3A_32 : i32
    %dma_start3A_111 = arith.constant 512 : i32
    %dma_start3A_112 = tpu.memref_slice %arg14[%dma_start3A_111] : memref<768xf32, #tpu.memory_space<vmem>> -> memref<256xf32, #tpu.memory_space<vmem>>
    %dma_start3A_113 = tpu.memref_slice %arg4[%add3A_110] : memref<24576xf32, #tpu.memory_space<hbm>> -> memref<256xf32, #tpu.memory_space<hbm>>
    %dma_start3A_114 = arith.constant 512 : i32
    %dma_start3A_115 = tpu.memref_slice %arg14[%dma_start3A_114] : memref<768xf32, #tpu.memory_space<vmem>> -> memref<256xf32, #tpu.memory_space<vmem>>
    %dma_start3A_116 = tpu.memref_slice %arg4[%add3A_110] : memref<24576xf32, #tpu.memory_space<hbm>> -> memref<256xf32, #tpu.memory_space<hbm>>
    tpu.enqueue_dma source(%dma_start3A_116 : memref<256xf32, #tpu.memory_space<hbm>>) target(%dma_start3A_115 : memref<256xf32, #tpu.memory_space<vmem>>) target_semaphore(%arg23 : memref<!tpu.dma_semaphore, #tpu.memory_space<semaphore_mem>>)
    %dma_wait3A = tpu.memref_slice %arg2[%mul3A_36] : memref<1536xf32, #tpu.memory_space<hbm>> -> memref<768xf32, #tpu.memory_space<hbm>>
    %dma_wait3A_117 = tpu.memref_slice %arg2[%mul3A_36] : memref<1536xf32, #tpu.memory_space<hbm>> -> memref<768xf32, #tpu.memory_space<hbm>>
    tpu.wait_dma2 semaphore(%arg22 : memref<!tpu.dma_semaphore, #tpu.memory_space<semaphore_mem>>) src(%dma_wait3A_117 : memref<768xf32, #tpu.memory_space<hbm>>) dst(%arg10 : memref<768xf32, #tpu.memory_space<vmem>>)
    %dma_wait3A_118 = arith.constant 0 : i32
    %dma_wait3A_119 = tpu.memref_slice %arg13[%dma_wait3A_118] : memref<512xf32, #tpu.memory_space<vmem>> -> memref<256xf32, #tpu.memory_space<vmem>>
    %dma_wait3A_120 = tpu.memref_slice %arg3[%add3A_44] : memref<16384xf32, #tpu.memory_space<hbm>> -> memref<256xf32, #tpu.memory_space<hbm>>
    %dma_wait3A_121 = arith.constant 0 : i32
    %dma_wait3A_122 = tpu.memref_slice %arg13[%dma_wait3A_121] : memref<512xf32, #tpu.memory_space<vmem>> -> memref<256xf32, #tpu.memory_space<vmem>>
    %dma_wait3A_123 = tpu.memref_slice %arg3[%add3A_44] : memref<16384xf32, #tpu.memory_space<hbm>> -> memref<256xf32, #tpu.memory_space<hbm>>
    tpu.wait_dma2 semaphore(%arg22 : memref<!tpu.dma_semaphore, #tpu.memory_space<semaphore_mem>>) src(%dma_wait3A_123 : memref<256xf32, #tpu.memory_space<hbm>>) dst(%dma_wait3A_122 : memref<256xf32, #tpu.memory_space<vmem>>)
    %dma_wait3A_124 = arith.constant 256 : i32
    %dma_wait3A_125 = tpu.memref_slice %arg13[%dma_wait3A_124] : memref<512xf32, #tpu.memory_space<vmem>> -> memref<256xf32, #tpu.memory_space<vmem>>
    %dma_wait3A_126 = tpu.memref_slice %arg3[%add3A_57] : memref<16384xf32, #tpu.memory_space<hbm>> -> memref<256xf32, #tpu.memory_space<hbm>>
    %dma_wait3A_127 = arith.constant 256 : i32
    %dma_wait3A_128 = tpu.memref_slice %arg13[%dma_wait3A_127] : memref<512xf32, #tpu.memory_space<vmem>> -> memref<256xf32, #tpu.memory_space<vmem>>
    %dma_wait3A_129 = tpu.memref_slice %arg3[%add3A_57] : memref<16384xf32, #tpu.memory_space<hbm>> -> memref<256xf32, #tpu.memory_space<hbm>>
    tpu.wait_dma2 semaphore(%arg22 : memref<!tpu.dma_semaphore, #tpu.memory_space<semaphore_mem>>) src(%dma_wait3A_129 : memref<256xf32, #tpu.memory_space<hbm>>) dst(%dma_wait3A_128 : memref<256xf32, #tpu.memory_space<vmem>>)
    %iota3A = tpu.iota {dimensions = array<i32: 0>} : vector<16xi32>
    %mul3A_130 = arith.constant 3 : i32
    %mul3A_131 = arith.muli %select_n3A, %mul3A_130 : i32
    %mul3A_132 = arith.constant 262144 : i32
    %mul3A_133 = arith.muli %mul3A_131, %mul3A_132 : i32
    %scan3A = arith.constant 0 : i32
    %scan3A_134 = arith.constant 0 : i32
    %scan3A_135 = arith.constant 8 : i32
    %scan3A_136 = arith.addi %scan3A_134, %scan3A_135 : i32
    %scan3A_137 = arith.constant 1 : i32
    %scan3A_138 = scf.for %scan3A_294 = %scan3A_134 to %scan3A_136 step %scan3A_137 iter_args(%scan3A_295 = %scan3A) -> (i32)  : i32 {
      %mul3A_296 = arith.constant 16 : i32
      %mul3A_297 = arith.muli %scan3A_294, %mul3A_296 : i32
      %add3A_298 = arith.constant 0 : i32
      %add3A_299 = arith.addi %add3A_298, %mul3A_297 : i32
      %get3A_300 = arith.index_cast %add3A_299 : i32 to index
      %get3A_301 = tpu.vector_load %arg10[%get3A_300] {strides = array<i32>} : memref<768xf32, #tpu.memory_space<vmem>>, vector<16xf32>,
      %add3A_302 = arith.constant 128 : i32
      %add3A_303 = arith.addi %add3A_302, %mul3A_297 : i32
      %get3A_304 = arith.index_cast %add3A_303 : i32 to index
      %get3A_305 = tpu.vector_load %arg10[%get3A_304] {strides = array<i32>} : memref<768xf32, #tpu.memory_space<vmem>>, vector<16xf32>,
      %add3A_306 = arith.constant 256 : i32
      %add3A_307 = arith.addi %add3A_306, %mul3A_297 : i32
      %get3A_308 = arith.index_cast %add3A_307 : i32 to index
      %get3A_309 = tpu.vector_load %arg10[%get3A_308] {strides = array<i32>} : memref<768xf32, #tpu.memory_space<vmem>>, vector<16xf32>,
      %add3A_310 = arith.constant 384 : i32
      %add3A_311 = arith.addi %add3A_310, %mul3A_297 : i32
      %get3A_312 = arith.index_cast %add3A_311 : i32 to index
      %get3A_313 = tpu.vector_load %arg10[%get3A_312] {strides = array<i32>} : memref<768xf32, #tpu.memory_space<vmem>>, vector<16xf32>,
      %add3A_314 = arith.addf %get3A_301, %get3A_309 : vector<16xf32>
      %mul3A_315 = arith.constant 5.000000e-01 : f32
      %mul3A_316 = vector.broadcast %mul3A_315 : f32 to vector<16xf32>
      %mul3A_317 = arith.mulf %add3A_314, %mul3A_316 : vector<16xf32>
      %swap3A = arith.index_cast %mul3A_297 : i32 to index
      %swap3A_318 = tpu.vector_load %arg11[%swap3A] {strides = array<i32>} : memref<128xf32, #tpu.memory_space<vmem>>, vector<16xf32>,
      tpu.vector_store %arg11[%swap3A], %mul3A_317 {strides = array<i32>} : memref<128xf32, #tpu.memory_space<vmem>>, vector<16xf32>,
      %add3A_319 = arith.addf %get3A_305, %get3A_313 : vector<16xf32>
      %mul3A_320 = arith.constant 5.000000e-01 : f32
      %mul3A_321 = vector.broadcast %mul3A_320 : f32 to vector<16xf32>
      %mul3A_322 = arith.mulf %add3A_319, %mul3A_321 : vector<16xf32>
      %swap3A_323 = arith.index_cast %mul3A_297 : i32 to index
      %swap3A_324 = tpu.vector_load %arg12[%swap3A_323] {strides = array<i32>} : memref<128xf32, #tpu.memory_space<vmem>>, vector<16xf32>,
      tpu.vector_store %arg12[%swap3A_323], %mul3A_322 {strides = array<i32>} : memref<128xf32, #tpu.memory_space<vmem>>, vector<16xf32>,
      %scan3A_325 = arith.constant 0 : i32
      scf.yield %scan3A_325 : i32
    }
    %scan3A_139 = arith.constant 8 : i32
    %scan3A_140 = arith.constant 0 : i32
    %scan3A_141 = arith.constant 0 : i32
    %scan3A_142 = arith.constant 16 : i32
    %scan3A_143 = arith.addi %scan3A_141, %scan3A_142 : i32
    %scan3A_144 = arith.constant 1 : i32
    %scan3A_145 = scf.for %scan3A_294 = %scan3A_141 to %scan3A_143 step %scan3A_144 iter_args(%scan3A_295 = %scan3A_140) -> (i32)  : i32 {
      %mul3A_296 = arith.constant 16 : i32
      %mul3A_297 = arith.muli %scan3A_294, %mul3A_296 : i32
      %get3A_298 = arith.index_cast %mul3A_297 : i32 to index
      %get3A_299 = tpu.vector_load %arg13[%get3A_298] {strides = array<i32>} : memref<512xf32, #tpu.memory_space<vmem>>, vector<16xf32>,
      %convert_element_type3A = arith.fptosi %get3A_299 : vector<16xf32> to vector<16xi32>
      %add3A_300 = arith.constant 256 : i32
      %add3A_301 = arith.addi %add3A_300, %mul3A_297 : i32
      %get3A_302 = arith.index_cast %add3A_301 : i32 to index
      %get3A_303 = tpu.vector_load %arg13[%get3A_302] {strides = array<i32>} : memref<512xf32, #tpu.memory_space<vmem>>, vector<16xf32>,
      %convert_element_type3A_304 = arith.fptosi %get3A_303 : vector<16xf32> to vector<16xi32>
      %mul3A_305 = arith.constant 512 : i32
      %mul3A_306 = vector.broadcast %mul3A_305 : i32 to vector<16xi32>
      %mul3A_307 = arith.muli %convert_element_type3A_304, %mul3A_306 : vector<16xi32>
      %add3A_308 = arith.addi %mul3A_307, %convert_element_type3A : vector<16xi32>
      %max3A = arith.constant 0 : i32
      %max3A_309 = vector.broadcast %max3A : i32 to vector<16xi32>
      %max3A_310 = arith.maxsi %add3A_308, %max3A_309 : vector<16xi32>
      %min3A = arith.constant 262143 : i32
      %min3A_311 = vector.broadcast %min3A : i32 to vector<16xi32>
      %min3A_312 = arith.minsi %max3A_310, %min3A_311 : vector<16xi32>
      %add3A_313 = arith.constant 0 : i32
      %add3A_314 = arith.addi %mul3A_133, %add3A_313 : i32
      %add3A_315 = vector.broadcast %add3A_314 : i32 to vector<16xi32>
      %add3A_316 = arith.addi %min3A_312, %add3A_315 : vector<16xi32>
      %add3A_317 = arith.constant 0 : i32
      %add3A_318 = arith.addi %add3A_317, %mul3A_297 : i32
      %swap3A = arith.index_cast %add3A_318 : i32 to index
      %swap3A_319 = tpu.vector_load %arg16[%swap3A] {strides = array<i32>} : memref<768xi32, #tpu.memory_space<vmem>>, vector<16xi32>,
      tpu.vector_store %arg16[%swap3A], %add3A_316 {strides = array<i32>} : memref<768xi32, #tpu.memory_space<vmem>>, vector<16xi32>,
      %add3A_320 = arith.constant 262144 : i32
      %add3A_321 = arith.addi %mul3A_133, %add3A_320 : i32
      %add3A_322 = vector.broadcast %add3A_321 : i32 to vector<16xi32>
      %add3A_323 = arith.addi %min3A_312, %add3A_322 : vector<16xi32>
      %add3A_324 = arith.constant 256 : i32
      %add3A_325 = arith.addi %add3A_324, %mul3A_297 : i32
      %swap3A_326 = arith.index_cast %add3A_325 : i32 to index
      %swap3A_327 = tpu.vector_load %arg16[%swap3A_326] {strides = array<i32>} : memref<768xi32, #tpu.memory_space<vmem>>, vector<16xi32>,
      tpu.vector_store %arg16[%swap3A_326], %add3A_323 {strides = array<i32>} : memref<768xi32, #tpu.memory_space<vmem>>, vector<16xi32>,
      %add3A_328 = arith.constant 524288 : i32
      %add3A_329 = arith.addi %mul3A_133, %add3A_328 : i32
      %add3A_330 = vector.broadcast %add3A_329 : i32 to vector<16xi32>
      %add3A_331 = arith.addi %min3A_312, %add3A_330 : vector<16xi32>
      %add3A_332 = arith.constant 512 : i32
      %add3A_333 = arith.addi %add3A_332, %mul3A_297 : i32
      %swap3A_334 = arith.index_cast %add3A_333 : i32 to index
      %swap3A_335 = tpu.vector_load %arg16[%swap3A_334] {strides = array<i32>} : memref<768xi32, #tpu.memory_space<vmem>>, vector<16xi32>,
      tpu.vector_store %arg16[%swap3A_334], %add3A_331 {strides = array<i32>} : memref<768xi32, #tpu.memory_space<vmem>>, vector<16xi32>,
      %scan3A_336 = arith.constant 0 : i32
      scf.yield %scan3A_336 : i32
    }
    %scan3A_146 = arith.constant 16 : i32
    %dma_start3A_147 = arith.constant 0 : i32
    %dma_start3A_148 = tpu.memref_slice %arg17[%dma_start3A_147] : memref<768xf32, #tpu.memory_space<vmem>> -> memref<128xf32, #tpu.memory_space<vmem>>
    %dma_start3A_149 = arith.constant 0 : i32
    %dma_start3A_150 = tpu.memref_slice %arg16[%dma_start3A_149] : memref<768xi32, #tpu.memory_space<vmem>> -> memref<128xi32, #tpu.memory_space<vmem>>
    %dma_start3A_151 = arith.constant 0 : i32
    %dma_start3A_152 = tpu.memref_slice %arg5[%dma_start3A_151] : memref<1572864xf32, #tpu.memory_space<hbm>> -> memref<1572864xf32, #tpu.memory_space<hbm>>
    tpu.enqueue_indirect_dma source(%dma_start3A_152 : memref<1572864xf32, #tpu.memory_space<hbm>>) target(%dma_start3A_148 : memref<128xf32, #tpu.memory_space<vmem>>) offsets(%dma_start3A_150 : memref<128xi32, #tpu.memory_space<vmem>>) semaphore(%arg21 : memref<!tpu.dma_semaphore, #tpu.memory_space<semaphore_mem>>)
    %dma_start3A_153 = arith.constant 128 : i32
    %dma_start3A_154 = tpu.memref_slice %arg17[%dma_start3A_153] : memref<768xf32, #tpu.memory_space<vmem>> -> memref<128xf32, #tpu.memory_space<vmem>>
    %dma_start3A_155 = arith.constant 128 : i32
    %dma_start3A_156 = tpu.memref_slice %arg16[%dma_start3A_155] : memref<768xi32, #tpu.memory_space<vmem>> -> memref<128xi32, #tpu.memory_space<vmem>>
    %dma_start3A_157 = arith.constant 0 : i32
    %dma_start3A_158 = tpu.memref_slice %arg5[%dma_start3A_157] : memref<1572864xf32, #tpu.memory_space<hbm>> -> memref<1572864xf32, #tpu.memory_space<hbm>>
    tpu.enqueue_indirect_dma source(%dma_start3A_158 : memref<1572864xf32, #tpu.memory_space<hbm>>) target(%dma_start3A_154 : memref<128xf32, #tpu.memory_space<vmem>>) offsets(%dma_start3A_156 : memref<128xi32, #tpu.memory_space<vmem>>) semaphore(%arg21 : memref<!tpu.dma_semaphore, #tpu.memory_space<semaphore_mem>>)
    %dma_start3A_159 = arith.constant 256 : i32
    %dma_start3A_160 = tpu.memref_slice %arg17[%dma_start3A_159] : memref<768xf32, #tpu.memory_space<vmem>> -> memref<128xf32, #tpu.memory_space<vmem>>
    %dma_start3A_161 = arith.constant 256 : i32
    %dma_start3A_162 = tpu.memref_slice %arg16[%dma_start3A_161] : memref<768xi32, #tpu.memory_space<vmem>> -> memref<128xi32, #tpu.memory_space<vmem>>
    %dma_start3A_163 = arith.constant 0 : i32
    %dma_start3A_164 = tpu.memref_slice %arg5[%dma_start3A_163] : memref<1572864xf32, #tpu.memory_space<hbm>> -> memref<1572864xf32, #tpu.memory_space<hbm>>
    tpu.enqueue_indirect_dma source(%dma_start3A_164 : memref<1572864xf32, #tpu.memory_space<hbm>>) target(%dma_start3A_160 : memref<128xf32, #tpu.memory_space<vmem>>) offsets(%dma_start3A_162 : memref<128xi32, #tpu.memory_space<vmem>>) semaphore(%arg21 : memref<!tpu.dma_semaphore, #tpu.memory_space<semaphore_mem>>)
    %dma_start3A_165 = arith.constant 384 : i32
    %dma_start3A_166 = tpu.memref_slice %arg17[%dma_start3A_165] : memref<768xf32, #tpu.memory_space<vmem>> -> memref<128xf32, #tpu.memory_space<vmem>>
    %dma_start3A_167 = arith.constant 384 : i32
    %dma_start3A_168 = tpu.memref_slice %arg16[%dma_start3A_167] : memref<768xi32, #tpu.memory_space<vmem>> -> memref<128xi32, #tpu.memory_space<vmem>>
    %dma_start3A_169 = arith.constant 0 : i32
    %dma_start3A_170 = tpu.memref_slice %arg5[%dma_start3A_169] : memref<1572864xf32, #tpu.memory_space<hbm>> -> memref<1572864xf32, #tpu.memory_space<hbm>>
    tpu.enqueue_indirect_dma source(%dma_start3A_170 : memref<1572864xf32, #tpu.memory_space<hbm>>) target(%dma_start3A_166 : memref<128xf32, #tpu.memory_space<vmem>>) offsets(%dma_start3A_168 : memref<128xi32, #tpu.memory_space<vmem>>) semaphore(%arg21 : memref<!tpu.dma_semaphore, #tpu.memory_space<semaphore_mem>>)
    %dma_start3A_171 = arith.constant 512 : i32
    %dma_start3A_172 = tpu.memref_slice %arg17[%dma_start3A_171] : memref<768xf32, #tpu.memory_space<vmem>> -> memref<128xf32, #tpu.memory_space<vmem>>
    %dma_start3A_173 = arith.constant 512 : i32
    %dma_start3A_174 = tpu.memref_slice %arg16[%dma_start3A_173] : memref<768xi32, #tpu.memory_space<vmem>> -> memref<128xi32, #tpu.memory_space<vmem>>
    %dma_start3A_175 = arith.constant 0 : i32
    %dma_start3A_176 = tpu.memref_slice %arg5[%dma_start3A_175] : memref<1572864xf32, #tpu.memory_space<hbm>> -> memref<1572864xf32, #tpu.memory_space<hbm>>
    tpu.enqueue_indirect_dma source(%dma_start3A_176 : memref<1572864xf32, #tpu.memory_space<hbm>>) target(%dma_start3A_172 : memref<128xf32, #tpu.memory_space<vmem>>) offsets(%dma_start3A_174 : memref<128xi32, #tpu.memory_space<vmem>>) semaphore(%arg21 : memref<!tpu.dma_semaphore, #tpu.memory_space<semaphore_mem>>)
    %dma_start3A_177 = arith.constant 640 : i32
    %dma_start3A_178 = tpu.memref_slice %arg17[%dma_start3A_177] : memref<768xf32, #tpu.memory_space<vmem>> -> memref<128xf32, #tpu.memory_space<vmem>>
    %dma_start3A_179 = arith.constant 640 : i32
    %dma_start3A_180 = tpu.memref_slice %arg16[%dma_start3A_179] : memref<768xi32, #tpu.memory_space<vmem>> -> memref<128xi32, #tpu.memory_space<vmem>>
    %dma_start3A_181 = arith.constant 0 : i32
    %dma_start3A_182 = tpu.memref_slice %arg5[%dma_start3A_181] : memref<1572864xf32, #tpu.memory_space<hbm>> -> memref<1572864xf32, #tpu.memory_space<hbm>>
    tpu.enqueue_indirect_dma source(%dma_start3A_182 : memref<1572864xf32, #tpu.memory_space<hbm>>) target(%dma_start3A_178 : memref<128xf32, #tpu.memory_space<vmem>>) offsets(%dma_start3A_180 : memref<128xi32, #tpu.memory_space<vmem>>) semaphore(%arg21 : memref<!tpu.dma_semaphore, #tpu.memory_space<semaphore_mem>>)
    %dma_wait3A_183 = tpu.memref_slice %arg6[%mul3A_65] : memref<32xf32, #tpu.memory_space<hbm>> -> memref<16xf32, #tpu.memory_space<hbm>>
    %dma_wait3A_184 = tpu.memref_slice %arg6[%mul3A_65] : memref<32xf32, #tpu.memory_space<hbm>> -> memref<16xf32, #tpu.memory_space<hbm>>
    tpu.wait_dma2 semaphore(%arg23 : memref<!tpu.dma_semaphore, #tpu.memory_space<semaphore_mem>>) src(%dma_wait3A_184 : memref<16xf32, #tpu.memory_space<hbm>>) dst(%arg15 : memref<16xf32, #tpu.memory_space<vmem>>)
    %dma_wait3A_185 = tpu.memref_slice %arg7[%add3A_70] : memref<8192xi32, #tpu.memory_space<hbm>> -> memref<256xi32, #tpu.memory_space<hbm>>
    %dma_wait3A_186 = tpu.memref_slice %arg7[%add3A_70] : memref<8192xi32, #tpu.memory_space<hbm>> -> memref<256xi32, #tpu.memory_space<hbm>>
    tpu.wait_dma2 semaphore(%arg23 : memref<!tpu.dma_semaphore, #tpu.memory_space<semaphore_mem>>) src(%dma_wait3A_186 : memref<256xi32, #tpu.memory_space<hbm>>) dst(%arg18 : memref<256xi32, #tpu.memory_space<vmem>>)
    %dma_wait3A_187 = tpu.memref_slice %arg8[%add3A_75] : memref<8192xf32, #tpu.memory_space<hbm>> -> memref<256xf32, #tpu.memory_space<hbm>>
    %dma_wait3A_188 = tpu.memref_slice %arg8[%add3A_75] : memref<8192xf32, #tpu.memory_space<hbm>> -> memref<256xf32, #tpu.memory_space<hbm>>
    tpu.wait_dma2 semaphore(%arg23 : memref<!tpu.dma_semaphore, #tpu.memory_space<semaphore_mem>>) src(%dma_wait3A_188 : memref<256xf32, #tpu.memory_space<hbm>>) dst(%arg19 : memref<256xf32, #tpu.memory_space<vmem>>)
    %dma_wait3A_189 = arith.constant 0 : i32
    %dma_wait3A_190 = tpu.memref_slice %arg14[%dma_wait3A_189] : memref<768xf32, #tpu.memory_space<vmem>> -> memref<256xf32, #tpu.memory_space<vmem>>
    %dma_wait3A_191 = tpu.memref_slice %arg4[%add3A_84] : memref<24576xf32, #tpu.memory_space<hbm>> -> memref<256xf32, #tpu.memory_space<hbm>>
    %dma_wait3A_192 = arith.constant 0 : i32
    %dma_wait3A_193 = tpu.memref_slice %arg14[%dma_wait3A_192] : memref<768xf32, #tpu.memory_space<vmem>> -> memref<256xf32, #tpu.memory_space<vmem>>
    %dma_wait3A_194 = tpu.memref_slice %arg4[%add3A_84] : memref<24576xf32, #tpu.memory_space<hbm>> -> memref<256xf32, #tpu.memory_space<hbm>>
    tpu.wait_dma2 semaphore(%arg23 : memref<!tpu.dma_semaphore, #tpu.memory_space<semaphore_mem>>) src(%dma_wait3A_194 : memref<256xf32, #tpu.memory_space<hbm>>) dst(%dma_wait3A_193 : memref<256xf32, #tpu.memory_space<vmem>>)
    %dma_wait3A_195 = arith.constant 256 : i32
    %dma_wait3A_196 = tpu.memref_slice %arg14[%dma_wait3A_195] : memref<768xf32, #tpu.memory_space<vmem>> -> memref<256xf32, #tpu.memory_space<vmem>>
    %dma_wait3A_197 = tpu.memref_slice %arg4[%add3A_97] : memref<24576xf32, #tpu.memory_space<hbm>> -> memref<256xf32, #tpu.memory_space<hbm>>
    %dma_wait3A_198 = arith.constant 256 : i32
    %dma_wait3A_199 = tpu.memref_slice %arg14[%dma_wait3A_198] : memref<768xf32, #tpu.memory_space<vmem>> -> memref<256xf32, #tpu.memory_space<vmem>>
    %dma_wait3A_200 = tpu.memref_slice %arg4[%add3A_97] : memref<24576xf32, #tpu.memory_space<hbm>> -> memref<256xf32, #tpu.memory_space<hbm>>
    tpu.wait_dma2 semaphore(%arg23 : memref<!tpu.dma_semaphore, #tpu.memory_space<semaphore_mem>>) src(%dma_wait3A_200 : memref<256xf32, #tpu.memory_space<hbm>>) dst(%dma_wait3A_199 : memref<256xf32, #tpu.memory_space<vmem>>)
    %dma_wait3A_201 = arith.constant 512 : i32
    %dma_wait3A_202 = tpu.memref_slice %arg14[%dma_wait3A_201] : memref<768xf32, #tpu.memory_space<vmem>> -> memref<256xf32, #tpu.memory_space<vmem>>
    %dma_wait3A_203 = tpu.memref_slice %arg4[%add3A_110] : memref<24576xf32, #tpu.memory_space<hbm>> -> memref<256xf32, #tpu.memory_space<hbm>>
    %dma_wait3A_204 = arith.constant 512 : i32
    %dma_wait3A_205 = tpu.memref_slice %arg14[%dma_wait3A_204] : memref<768xf32, #tpu.memory_space<vmem>> -> memref<256xf32, #tpu.memory_space<vmem>>
    %dma_wait3A_206 = tpu.memref_slice %arg4[%add3A_110] : memref<24576xf32, #tpu.memory_space<hbm>> -> memref<256xf32, #tpu.memory_space<hbm>>
    tpu.wait_dma2 semaphore(%arg23 : memref<!tpu.dma_semaphore, #tpu.memory_space<semaphore_mem>>) src(%dma_wait3A_206 : memref<256xf32, #tpu.memory_space<hbm>>) dst(%dma_wait3A_205 : memref<256xf32, #tpu.memory_space<vmem>>)
    %get3A = arith.constant 0 : index
    %get3A_207 = tpu.vector_load %arg15[%get3A] {strides = array<i32>} : memref<16xf32, #tpu.memory_space<vmem>>, vector<16xf32>,
    %div3A_208 = arith.constant 1.000000e+00 : f32
    %div3A_209 = vector.broadcast %div3A_208 : f32 to vector<16xf32>
    %div3A_210 = arith.divf %div3A_209, %get3A_207 : vector<16xf32>
    %scan3A_211 = arith.constant 0 : i32
    %scan3A_212 = arith.constant 0 : i32
    %scan3A_213 = arith.constant 16 : i32
    %scan3A_214 = arith.addi %scan3A_212, %scan3A_213 : i32
    %scan3A_215 = arith.constant 2 : i32
    %scan3A_216 = scf.for %scan3A_294 = %scan3A_212 to %scan3A_214 step %scan3A_215 iter_args(%scan3A_295 = %scan3A_211) -> (i32)  : i32 {
      %mul3A_296 = arith.constant 16 : i32
      %mul3A_297 = arith.muli %scan3A_294, %mul3A_296 : i32
      %get3A_298 = arith.index_cast %mul3A_297 : i32 to index
      %get3A_299 = tpu.vector_load %arg13[%get3A_298] {strides = array<i32>} : memref<512xf32, #tpu.memory_space<vmem>>, vector<16xf32>,
      %add3A_300 = arith.constant 256 : i32
      %add3A_301 = arith.addi %add3A_300, %mul3A_297 : i32
      %get3A_302 = arith.index_cast %add3A_301 : i32 to index
      %get3A_303 = tpu.vector_load %arg13[%get3A_302] {strides = array<i32>} : memref<512xf32, #tpu.memory_space<vmem>>, vector<16xf32>,
      %get3A_304 = arith.index_cast %mul3A_297 : i32 to index
      %get3A_305 = tpu.vector_load %arg14[%get3A_304] {strides = array<i32>} : memref<768xf32, #tpu.memory_space<vmem>>, vector<16xf32>,
      %add3A_306 = arith.constant 256 : i32
      %add3A_307 = arith.addi %add3A_306, %mul3A_297 : i32
      %get3A_308 = arith.index_cast %add3A_307 : i32 to index
      %get3A_309 = tpu.vector_load %arg14[%get3A_308] {strides = array<i32>} : memref<768xf32, #tpu.memory_space<vmem>>, vector<16xf32>,
      %add3A_310 = arith.constant 512 : i32
      %add3A_311 = arith.addi %add3A_310, %mul3A_297 : i32
      %get3A_312 = arith.index_cast %add3A_311 : i32 to index
      %get3A_313 = tpu.vector_load %arg14[%get3A_312] {strides = array<i32>} : memref<768xf32, #tpu.memory_space<vmem>>, vector<16xf32>,
      %get3A_314 = arith.index_cast %mul3A_297 : i32 to index
      %get3A_315 = tpu.vector_load %arg18[%get3A_314] {strides = array<i32>} : memref<256xi32, #tpu.memory_space<vmem>>, vector<16xi32>,
      %get3A_316 = arith.index_cast %mul3A_297 : i32 to index
      %get3A_317 = tpu.vector_load %arg19[%get3A_316] {strides = array<i32>} : memref<256xf32, #tpu.memory_space<vmem>>, vector<16xf32>,
      %lt3A_318 = arith.constant 0.000000e+00 : f32
      %lt3A_319 = vector.broadcast %lt3A_318 : f32 to vector<16xf32>
      %lt3A_320 = arith.cmpf olt, %get3A_317, %lt3A_319 : vector<16xf32>
      %gather3A = tpu.vector_load_idx %arg11[%get3A_315] : memref<128xf32, #tpu.memory_space<vmem>>[vector<16xi32>], vector<16xf32>,
      %gather3A_321 = tpu.vector_load_idx %arg12[%get3A_315] : memref<128xf32, #tpu.memory_space<vmem>>[vector<16xi32>], vector<16xf32>,
      %add3A_322 = arith.constant 512 : i32
      %add3A_323 = vector.broadcast %add3A_322 : i32 to vector<16xi32>
      %add3A_324 = arith.addi %get3A_315, %add3A_323 : vector<16xi32>
      %gather3A_325 = tpu.vector_load_idx %arg10[%add3A_324] : memref<768xf32, #tpu.memory_space<vmem>>[vector<16xi32>], vector<16xf32>,
      %add3A_326 = arith.constant 640 : i32
      %add3A_327 = vector.broadcast %add3A_326 : i32 to vector<16xi32>
      %add3A_328 = arith.addi %get3A_315, %add3A_327 : vector<16xi32>
      %gather3A_329 = tpu.vector_load_idx %arg10[%add3A_328] : memref<768xf32, #tpu.memory_space<vmem>>[vector<16xi32>], vector<16xf32>,
      %sub3A_330 = arith.subf %gather3A, %get3A_299 : vector<16xf32>
      %sub3A_331 = arith.subf %gather3A_321, %get3A_303 : vector<16xf32>
      %mul3A_332 = arith.mulf %get3A_313, %div3A_210 : vector<16xf32>
      %mul3A_333 = arith.mulf %sub3A_330, %mul3A_332 : vector<16xf32>
      %add3A_334 = arith.addf %mul3A_333, %get3A_305 : vector<16xf32>
      %mul3A_335 = arith.mulf %sub3A_331, %mul3A_332 : vector<16xf32>
      %add3A_336 = arith.addf %mul3A_335, %get3A_309 : vector<16xf32>
      %mul3A_337 = arith.mulf %add3A_334, %add3A_334 : vector<16xf32>
      %mul3A_338 = arith.mulf %add3A_336, %add3A_336 : vector<16xf32>
      %add3A_339 = arith.addf %mul3A_337, %mul3A_338 : vector<16xf32>
      %mul3A_340 = arith.mulf %get3A_313, %get3A_313 : vector<16xf32>
      %add3A_341 = arith.addf %add3A_339, %mul3A_340 : vector<16xf32>
      %bitcast3A = vector.bitcast %add3A_341 : vector<16xf32> to vector<16xi32>
      %shift_right_arithmetic3A = arith.constant 1 : i32
      %shift_right_arithmetic3A_342 = vector.broadcast %shift_right_arithmetic3A : i32 to vector<16xi32>
      %shift_right_arithmetic3A_343 = arith.shrsi %bitcast3A, %shift_right_arithmetic3A_342 : vector<16xi32>
      %sub3A_344 = arith.constant 1597463007 : i32
      %sub3A_345 = vector.broadcast %sub3A_344 : i32 to vector<16xi32>
      %sub3A_346 = arith.subi %sub3A_345, %shift_right_arithmetic3A_343 : vector<16xi32>
      %bitcast3A_347 = vector.bitcast %sub3A_346 : vector<16xi32> to vector<16xf32>
      %mul3A_348 = arith.constant 5.000000e-01 : f32
      %mul3A_349 = vector.broadcast %mul3A_348 : f32 to vector<16xf32>
      %mul3A_350 = arith.mulf %mul3A_349, %add3A_341 : vector<16xf32>
      %mul3A_351 = arith.mulf %mul3A_350, %bitcast3A_347 : vector<16xf32>
      %mul3A_352 = arith.mulf %mul3A_351, %bitcast3A_347 : vector<16xf32>
      %sub3A_353 = arith.constant 1.500000e+00 : f32
      %sub3A_354 = vector.broadcast %sub3A_353 : f32 to vector<16xf32>
      %sub3A_355 = arith.subf %sub3A_354, %mul3A_352 : vector<16xf32>
      %mul3A_356 = arith.mulf %bitcast3A_347, %sub3A_355 : vector<16xf32>
      %mul3A_357 = arith.constant 5.000000e-01 : f32
      %mul3A_358 = vector.broadcast %mul3A_357 : f32 to vector<16xf32>
      %mul3A_359 = arith.mulf %mul3A_358, %add3A_341 : vector<16xf32>
      %mul3A_360 = arith.mulf %mul3A_359, %mul3A_356 : vector<16xf32>
      %mul3A_361 = arith.mulf %mul3A_360, %mul3A_356 : vector<16xf32>
      %sub3A_362 = arith.constant 1.500000e+00 : f32
      %sub3A_363 = vector.broadcast %sub3A_362 : f32 to vector<16xf32>
      %sub3A_364 = arith.subf %sub3A_363, %mul3A_361 : vector<16xf32>
      %mul3A_365 = arith.mulf %mul3A_356, %sub3A_364 : vector<16xf32>
      %add3A_366 = vector.broadcast %mul3A_297 : i32 to vector<16xi32>
      %add3A_367 = arith.addi %iota3A, %add3A_366 : vector<16xi32>
      %broadcast_in_dim3A = arith.constant 0.000000e+00 : f32
      %broadcast_in_dim3A_368 = vector.broadcast %broadcast_in_dim3A : f32 to vector<16xf32>
      %eq3A_369 = arith.constant 0.000000e+00 : f32
      %eq3A_370 = vector.broadcast %eq3A_369 : f32 to vector<16xf32>
      %eq3A_371 = arith.cmpf oeq, %gather3A_329, %eq3A_370 : vector<16xf32>
      %and3A_372 = arith.andi %lt3A_320, %eq3A_371 : vector<16xi1>
      %select_n3A_373 = arith.select %and3A_372, %gather3A_325, %broadcast_in_dim3A_368 : vector<16xi1>, vector<16xf32>
      %broadcast_in_dim3A_374 = arith.constant 0 : i32
      %broadcast_in_dim3A_375 = vector.broadcast %broadcast_in_dim3A_374 : i32 to vector<16xi32>
      tpu.vector_store_idx %arg20[%add3A_367, %broadcast_in_dim3A_375], %select_n3A_373 : memref<256x18xf32, #tpu.memory_space<vmem>>[vector<16xi32>, vector<16xi32>], vector<16xf32>,
      %eq3A_376 = arith.constant 1.000000e+00 : f32
      %eq3A_377 = vector.broadcast %eq3A_376 : f32 to vector<16xf32>
      %eq3A_378 = arith.cmpf oeq, %gather3A_329, %eq3A_377 : vector<16xf32>
      %and3A_379 = arith.andi %lt3A_320, %eq3A_378 : vector<16xi1>
      %select_n3A_380 = arith.select %and3A_379, %gather3A_325, %broadcast_in_dim3A_368 : vector<16xi1>, vector<16xf32>
      %broadcast_in_dim3A_381 = arith.constant 1 : i32
      %broadcast_in_dim3A_382 = vector.broadcast %broadcast_in_dim3A_381 : i32 to vector<16xi32>
      tpu.vector_store_idx %arg20[%add3A_367, %broadcast_in_dim3A_382], %select_n3A_380 : memref<256x18xf32, #tpu.memory_space<vmem>>[vector<16xi32>, vector<16xi32>], vector<16xf32>,
      %eq3A_383 = arith.constant 2.000000e+00 : f32
      %eq3A_384 = vector.broadcast %eq3A_383 : f32 to vector<16xf32>
      %eq3A_385 = arith.cmpf oeq, %gather3A_329, %eq3A_384 : vector<16xf32>
      %and3A_386 = arith.andi %lt3A_320, %eq3A_385 : vector<16xi1>
      %select_n3A_387 = arith.select %and3A_386, %gather3A_325, %broadcast_in_dim3A_368 : vector<16xi1>, vector<16xf32>
      %broadcast_in_dim3A_388 = arith.constant 2 : i32
      %broadcast_in_dim3A_389 = vector.broadcast %broadcast_in_dim3A_388 : i32 to vector<16xi32>
      tpu.vector_store_idx %arg20[%add3A_367, %broadcast_in_dim3A_389], %select_n3A_387 : memref<256x18xf32, #tpu.memory_space<vmem>>[vector<16xi32>, vector<16xi32>], vector<16xf32>,
      %eq3A_390 = arith.constant 3.000000e+00 : f32
      %eq3A_391 = vector.broadcast %eq3A_390 : f32 to vector<16xf32>
      %eq3A_392 = arith.cmpf oeq, %gather3A_329, %eq3A_391 : vector<16xf32>
      %and3A_393 = arith.andi %lt3A_320, %eq3A_392 : vector<16xi1>
      %select_n3A_394 = arith.select %and3A_393, %gather3A_325, %broadcast_in_dim3A_368 : vector<16xi1>, vector<16xf32>
      %broadcast_in_dim3A_395 = arith.constant 3 : i32
      %broadcast_in_dim3A_396 = vector.broadcast %broadcast_in_dim3A_395 : i32 to vector<16xi32>
      tpu.vector_store_idx %arg20[%add3A_367, %broadcast_in_dim3A_396], %select_n3A_394 : memref<256x18xf32, #tpu.memory_space<vmem>>[vector<16xi32>, vector<16xi32>], vector<16xf32>,
      %eq3A_397 = arith.constant 4.000000e+00 : f32
      %eq3A_398 = vector.broadcast %eq3A_397 : f32 to vector<16xf32>
      %eq3A_399 = arith.cmpf oeq, %gather3A_329, %eq3A_398 : vector<16xf32>
      %and3A_400 = arith.andi %lt3A_320, %eq3A_399 : vector<16xi1>
      %select_n3A_401 = arith.select %and3A_400, %gather3A_325, %broadcast_in_dim3A_368 : vector<16xi1>, vector<16xf32>
      %broadcast_in_dim3A_402 = arith.constant 4 : i32
      %broadcast_in_dim3A_403 = vector.broadcast %broadcast_in_dim3A_402 : i32 to vector<16xi32>
      tpu.vector_store_idx %arg20[%add3A_367, %broadcast_in_dim3A_403], %select_n3A_401 : memref<256x18xf32, #tpu.memory_space<vmem>>[vector<16xi32>, vector<16xi32>], vector<16xf32>,
      %eq3A_404 = arith.constant 5.000000e+00 : f32
      %eq3A_405 = vector.broadcast %eq3A_404 : f32 to vector<16xf32>
      %eq3A_406 = arith.cmpf oeq, %gather3A_329, %eq3A_405 : vector<16xf32>
      %and3A_407 = arith.andi %lt3A_320, %eq3A_406 : vector<16xi1>
      %select_n3A_408 = arith.select %and3A_407, %gather3A_325, %broadcast_in_dim3A_368 : vector<16xi1>, vector<16xf32>
      %broadcast_in_dim3A_409 = arith.constant 5 : i32
      %broadcast_in_dim3A_410 = vector.broadcast %broadcast_in_dim3A_409 : i32 to vector<16xi32>
      tpu.vector_store_idx %arg20[%add3A_367, %broadcast_in_dim3A_410], %select_n3A_408 : memref<256x18xf32, #tpu.memory_space<vmem>>[vector<16xi32>, vector<16xi32>], vector<16xf32>,
      %eq3A_411 = arith.constant 6.000000e+00 : f32
      %eq3A_412 = vector.broadcast %eq3A_411 : f32 to vector<16xf32>
      %eq3A_413 = arith.cmpf oeq, %gather3A_329, %eq3A_412 : vector<16xf32>
      %and3A_414 = arith.andi %lt3A_320, %eq3A_413 : vector<16xi1>
      %select_n3A_415 = arith.select %and3A_414, %gather3A_325, %broadcast_in_dim3A_368 : vector<16xi1>, vector<16xf32>
      %broadcast_in_dim3A_416 = arith.constant 6 : i32
      %broadcast_in_dim3A_417 = vector.broadcast %broadcast_in_dim3A_416 : i32 to vector<16xi32>
      tpu.vector_store_idx %arg20[%add3A_367, %broadcast_in_dim3A_417], %select_n3A_415 : memref<256x18xf32, #tpu.memory_space<vmem>>[vector<16xi32>, vector<16xi32>], vector<16xf32>,
      %eq3A_418 = arith.constant 7.000000e+00 : f32
      %eq3A_419 = vector.broadcast %eq3A_418 : f32 to vector<16xf32>
      %eq3A_420 = arith.cmpf oeq, %gather3A_329, %eq3A_419 : vector<16xf32>
      %and3A_421 = arith.andi %lt3A_320, %eq3A_420 : vector<16xi1>
      %select_n3A_422 = arith.select %and3A_421, %gather3A_325, %broadcast_in_dim3A_368 : vector<16xi1>, vector<16xf32>
      %broadcast_in_dim3A_423 = arith.constant 7 : i32
      %broadcast_in_dim3A_424 = vector.broadcast %broadcast_in_dim3A_423 : i32 to vector<16xi32>
      tpu.vector_store_idx %arg20[%add3A_367, %broadcast_in_dim3A_424], %select_n3A_422 : memref<256x18xf32, #tpu.memory_space<vmem>>[vector<16xi32>, vector<16xi32>], vector<16xf32>,
      %eq3A_425 = arith.constant 8.000000e+00 : f32
      %eq3A_426 = vector.broadcast %eq3A_425 : f32 to vector<16xf32>
      %eq3A_427 = arith.cmpf oeq, %gather3A_329, %eq3A_426 : vector<16xf32>
      %and3A_428 = arith.andi %lt3A_320, %eq3A_427 : vector<16xi1>
      %select_n3A_429 = arith.select %and3A_428, %gather3A_325, %broadcast_in_dim3A_368 : vector<16xi1>, vector<16xf32>
      %broadcast_in_dim3A_430 = arith.constant 8 : i32
      %broadcast_in_dim3A_431 = vector.broadcast %broadcast_in_dim3A_430 : i32 to vector<16xi32>
      tpu.vector_store_idx %arg20[%add3A_367, %broadcast_in_dim3A_431], %select_n3A_429 : memref<256x18xf32, #tpu.memory_space<vmem>>[vector<16xi32>, vector<16xi32>], vector<16xf32>,
      %eq3A_432 = arith.constant 9.000000e+00 : f32
      %eq3A_433 = vector.broadcast %eq3A_432 : f32 to vector<16xf32>
      %eq3A_434 = arith.cmpf oeq, %gather3A_329, %eq3A_433 : vector<16xf32>
      %and3A_435 = arith.andi %lt3A_320, %eq3A_434 : vector<16xi1>
      %select_n3A_436 = arith.select %and3A_435, %gather3A_325, %broadcast_in_dim3A_368 : vector<16xi1>, vector<16xf32>
      %broadcast_in_dim3A_437 = arith.constant 9 : i32
      %broadcast_in_dim3A_438 = vector.broadcast %broadcast_in_dim3A_437 : i32 to vector<16xi32>
      tpu.vector_store_idx %arg20[%add3A_367, %broadcast_in_dim3A_438], %select_n3A_436 : memref<256x18xf32, #tpu.memory_space<vmem>>[vector<16xi32>, vector<16xi32>], vector<16xf32>,
      %mul3A_439 = arith.mulf %add3A_334, %mul3A_365 : vector<16xf32>
      %mul3A_440 = arith.mulf %add3A_336, %mul3A_365 : vector<16xf32>
      %mul3A_441 = arith.mulf %get3A_313, %mul3A_365 : vector<16xf32>
      %select_n3A_442 = arith.select %lt3A_320, %add3A_334, %broadcast_in_dim3A_368 : vector<16xi1>, vector<16xf32>
      %broadcast_in_dim3A_443 = arith.constant 13 : i32
      %broadcast_in_dim3A_444 = vector.broadcast %broadcast_in_dim3A_443 : i32 to vector<16xi32>
      tpu.vector_store_idx %arg20[%add3A_367, %broadcast_in_dim3A_444], %select_n3A_442 : memref<256x18xf32, #tpu.memory_space<vmem>>[vector<16xi32>, vector<16xi32>], vector<16xf32>,
      %select_n3A_445 = arith.select %lt3A_320, %add3A_336, %broadcast_in_dim3A_368 : vector<16xi1>, vector<16xf32>
      %broadcast_in_dim3A_446 = arith.constant 14 : i32
      %broadcast_in_dim3A_447 = vector.broadcast %broadcast_in_dim3A_446 : i32 to vector<16xi32>
      tpu.vector_store_idx %arg20[%add3A_367, %broadcast_in_dim3A_447], %select_n3A_445 : memref<256x18xf32, #tpu.memory_space<vmem>>[vector<16xi32>, vector<16xi32>], vector<16xf32>,
      %select_n3A_448 = arith.select %lt3A_320, %mul3A_439, %broadcast_in_dim3A_368 : vector<16xi1>, vector<16xf32>
      %broadcast_in_dim3A_449 = arith.constant 15 : i32
      %broadcast_in_dim3A_450 = vector.broadcast %broadcast_in_dim3A_449 : i32 to vector<16xi32>
      tpu.vector_store_idx %arg20[%add3A_367, %broadcast_in_dim3A_450], %select_n3A_448 : memref<256x18xf32, #tpu.memory_space<vmem>>[vector<16xi32>, vector<16xi32>], vector<16xf32>,
      %select_n3A_451 = arith.select %lt3A_320, %mul3A_440, %broadcast_in_dim3A_368 : vector<16xi1>, vector<16xf32>
      %broadcast_in_dim3A_452 = arith.constant 16 : i32
      %broadcast_in_dim3A_453 = vector.broadcast %broadcast_in_dim3A_452 : i32 to vector<16xi32>
      tpu.vector_store_idx %arg20[%add3A_367, %broadcast_in_dim3A_453], %select_n3A_451 : memref<256x18xf32, #tpu.memory_space<vmem>>[vector<16xi32>, vector<16xi32>], vector<16xf32>,
      %select_n3A_454 = arith.select %lt3A_320, %mul3A_441, %broadcast_in_dim3A_368 : vector<16xi1>, vector<16xf32>
      %broadcast_in_dim3A_455 = arith.constant 17 : i32
      %broadcast_in_dim3A_456 = vector.broadcast %broadcast_in_dim3A_455 : i32 to vector<16xi32>
      tpu.vector_store_idx %arg20[%add3A_367, %broadcast_in_dim3A_456], %select_n3A_454 : memref<256x18xf32, #tpu.memory_space<vmem>>[vector<16xi32>, vector<16xi32>], vector<16xf32>,
      %scan3A_457 = arith.constant 0 : i32
      %scan3A_458 = arith.constant 1 : i32
      %scan3A_459 = arith.addi %scan3A_294, %scan3A_458 : i32
      %mul3A_460 = arith.constant 16 : i32
      %mul3A_461 = arith.muli %scan3A_459, %mul3A_460 : i32
      %get3A_462 = arith.index_cast %mul3A_461 : i32 to index
      %get3A_463 = tpu.vector_load %arg13[%get3A_462] {strides = array<i32>} : memref<512xf32, #tpu.memory_space<vmem>>, vector<16xf32>,
      %add3A_464 = arith.constant 256 : i32
      %add3A_465 = arith.addi %add3A_464, %mul3A_461 : i32
      %get3A_466 = arith.index_cast %add3A_465 : i32 to index
      %get3A_467 = tpu.vector_load %arg13[%get3A_466] {strides = array<i32>} : memref<512xf32, #tpu.memory_space<vmem>>, vector<16xf32>,
      %get3A_468 = arith.index_cast %mul3A_461 : i32 to index
      %get3A_469 = tpu.vector_load %arg14[%get3A_468] {strides = array<i32>} : memref<768xf32, #tpu.memory_space<vmem>>, vector<16xf32>,
      %add3A_470 = arith.constant 256 : i32
      %add3A_471 = arith.addi %add3A_470, %mul3A_461 : i32
      %get3A_472 = arith.index_cast %add3A_471 : i32 to index
      %get3A_473 = tpu.vector_load %arg14[%get3A_472] {strides = array<i32>} : memref<768xf32, #tpu.memory_space<vmem>>, vector<16xf32>,
      %add3A_474 = arith.constant 512 : i32
      %add3A_475 = arith.addi %add3A_474, %mul3A_461 : i32
      %get3A_476 = arith.index_cast %add3A_475 : i32 to index
      %get3A_477 = tpu.vector_load %arg14[%get3A_476] {strides = array<i32>} : memref<768xf32, #tpu.memory_space<vmem>>, vector<16xf32>,
      %get3A_478 = arith.index_cast %mul3A_461 : i32 to index
      %get3A_479 = tpu.vector_load %arg18[%get3A_478] {strides = array<i32>} : memref<256xi32, #tpu.memory_space<vmem>>, vector<16xi32>,
      %get3A_480 = arith.index_cast %mul3A_461 : i32 to index
      %get3A_481 = tpu.vector_load %arg19[%get3A_480] {strides = array<i32>} : memref<256xf32, #tpu.memory_space<vmem>>, vector<16xf32>,
      %lt3A_482 = arith.constant 0.000000e+00 : f32
      %lt3A_483 = vector.broadcast %lt3A_482 : f32 to vector<16xf32>
      %lt3A_484 = arith.cmpf olt, %get3A_481, %lt3A_483 : vector<16xf32>
      %gather3A_485 = tpu.vector_load_idx %arg11[%get3A_479] : memref<128xf32, #tpu.memory_space<vmem>>[vector<16xi32>], vector<16xf32>,
      %gather3A_486 = tpu.vector_load_idx %arg12[%get3A_479] : memref<128xf32, #tpu.memory_space<vmem>>[vector<16xi32>], vector<16xf32>,
      %add3A_487 = arith.constant 512 : i32
      %add3A_488 = vector.broadcast %add3A_487 : i32 to vector<16xi32>
      %add3A_489 = arith.addi %get3A_479, %add3A_488 : vector<16xi32>
      %gather3A_490 = tpu.vector_load_idx %arg10[%add3A_489] : memref<768xf32, #tpu.memory_space<vmem>>[vector<16xi32>], vector<16xf32>,
      %add3A_491 = arith.constant 640 : i32
      %add3A_492 = vector.broadcast %add3A_491 : i32 to vector<16xi32>
      %add3A_493 = arith.addi %get3A_479, %add3A_492 : vector<16xi32>
      %gather3A_494 = tpu.vector_load_idx %arg10[%add3A_493] : memref<768xf32, #tpu.memory_space<vmem>>[vector<16xi32>], vector<16xf32>,
      %sub3A_495 = arith.subf %gather3A_485, %get3A_463 : vector<16xf32>
      %sub3A_496 = arith.subf %gather3A_486, %get3A_467 : vector<16xf32>
      %mul3A_497 = arith.mulf %get3A_477, %div3A_210 : vector<16xf32>
      %mul3A_498 = arith.mulf %sub3A_495, %mul3A_497 : vector<16xf32>
      %add3A_499 = arith.addf %mul3A_498, %get3A_469 : vector<16xf32>
      %mul3A_500 = arith.mulf %sub3A_496, %mul3A_497 : vector<16xf32>
      %add3A_501 = arith.addf %mul3A_500, %get3A_473 : vector<16xf32>
      %mul3A_502 = arith.mulf %add3A_499, %add3A_499 : vector<16xf32>
      %mul3A_503 = arith.mulf %add3A_501, %add3A_501 : vector<16xf32>
      %add3A_504 = arith.addf %mul3A_502, %mul3A_503 : vector<16xf32>
      %mul3A_505 = arith.mulf %get3A_477, %get3A_477 : vector<16xf32>
      %add3A_506 = arith.addf %add3A_504, %mul3A_505 : vector<16xf32>
      %bitcast3A_507 = vector.bitcast %add3A_506 : vector<16xf32> to vector<16xi32>
      %shift_right_arithmetic3A_508 = arith.constant 1 : i32
      %shift_right_arithmetic3A_509 = vector.broadcast %shift_right_arithmetic3A_508 : i32 to vector<16xi32>
      %shift_right_arithmetic3A_510 = arith.shrsi %bitcast3A_507, %shift_right_arithmetic3A_509 : vector<16xi32>
      %sub3A_511 = arith.constant 1597463007 : i32
      %sub3A_512 = vector.broadcast %sub3A_511 : i32 to vector<16xi32>
      %sub3A_513 = arith.subi %sub3A_512, %shift_right_arithmetic3A_510 : vector<16xi32>
      %bitcast3A_514 = vector.bitcast %sub3A_513 : vector<16xi32> to vector<16xf32>
      %mul3A_515 = arith.constant 5.000000e-01 : f32
      %mul3A_516 = vector.broadcast %mul3A_515 : f32 to vector<16xf32>
      %mul3A_517 = arith.mulf %mul3A_516, %add3A_506 : vector<16xf32>
      %mul3A_518 = arith.mulf %mul3A_517, %bitcast3A_514 : vector<16xf32>
      %mul3A_519 = arith.mulf %mul3A_518, %bitcast3A_514 : vector<16xf32>
      %sub3A_520 = arith.constant 1.500000e+00 : f32
      %sub3A_521 = vector.broadcast %sub3A_520 : f32 to vector<16xf32>
      %sub3A_522 = arith.subf %sub3A_521, %mul3A_519 : vector<16xf32>
      %mul3A_523 = arith.mulf %bitcast3A_514, %sub3A_522 : vector<16xf32>
      %mul3A_524 = arith.constant 5.000000e-01 : f32
      %mul3A_525 = vector.broadcast %mul3A_524 : f32 to vector<16xf32>
      %mul3A_526 = arith.mulf %mul3A_525, %add3A_506 : vector<16xf32>
      %mul3A_527 = arith.mulf %mul3A_526, %mul3A_523 : vector<16xf32>
      %mul3A_528 = arith.mulf %mul3A_527, %mul3A_523 : vector<16xf32>
      %sub3A_529 = arith.constant 1.500000e+00 : f32
      %sub3A_530 = vector.broadcast %sub3A_529 : f32 to vector<16xf32>
      %sub3A_531 = arith.subf %sub3A_530, %mul3A_528 : vector<16xf32>
      %mul3A_532 = arith.mulf %mul3A_523, %sub3A_531 : vector<16xf32>
      %add3A_533 = vector.broadcast %mul3A_461 : i32 to vector<16xi32>
      %add3A_534 = arith.addi %iota3A, %add3A_533 : vector<16xi32>
      %broadcast_in_dim3A_535 = arith.constant 0.000000e+00 : f32
      %broadcast_in_dim3A_536 = vector.broadcast %broadcast_in_dim3A_535 : f32 to vector<16xf32>
      %eq3A_537 = arith.constant 0.000000e+00 : f32
      %eq3A_538 = vector.broadcast %eq3A_537 : f32 to vector<16xf32>
      %eq3A_539 = arith.cmpf oeq, %gather3A_494, %eq3A_538 : vector<16xf32>
      %and3A_540 = arith.andi %lt3A_484, %eq3A_539 : vector<16xi1>
      %select_n3A_541 = arith.select %and3A_540, %gather3A_490, %broadcast_in_dim3A_536 : vector<16xi1>, vector<16xf32>
      %broadcast_in_dim3A_542 = arith.constant 0 : i32
      %broadcast_in_dim3A_543 = vector.broadcast %broadcast_in_dim3A_542 : i32 to vector<16xi32>
      tpu.vector_store_idx %arg20[%add3A_534, %broadcast_in_dim3A_543], %select_n3A_541 : memref<256x18xf32, #tpu.memory_space<vmem>>[vector<16xi32>, vector<16xi32>], vector<16xf32>,
      %eq3A_544 = arith.constant 1.000000e+00 : f32
      %eq3A_545 = vector.broadcast %eq3A_544 : f32 to vector<16xf32>
      %eq3A_546 = arith.cmpf oeq, %gather3A_494, %eq3A_545 : vector<16xf32>
      %and3A_547 = arith.andi %lt3A_484, %eq3A_546 : vector<16xi1>
      %select_n3A_548 = arith.select %and3A_547, %gather3A_490, %broadcast_in_dim3A_536 : vector<16xi1>, vector<16xf32>
      %broadcast_in_dim3A_549 = arith.constant 1 : i32
      %broadcast_in_dim3A_550 = vector.broadcast %broadcast_in_dim3A_549 : i32 to vector<16xi32>
      tpu.vector_store_idx %arg20[%add3A_534, %broadcast_in_dim3A_550], %select_n3A_548 : memref<256x18xf32, #tpu.memory_space<vmem>>[vector<16xi32>, vector<16xi32>], vector<16xf32>,
      %eq3A_551 = arith.constant 2.000000e+00 : f32
      %eq3A_552 = vector.broadcast %eq3A_551 : f32 to vector<16xf32>
      %eq3A_553 = arith.cmpf oeq, %gather3A_494, %eq3A_552 : vector<16xf32>
      %and3A_554 = arith.andi %lt3A_484, %eq3A_553 : vector<16xi1>
      %select_n3A_555 = arith.select %and3A_554, %gather3A_490, %broadcast_in_dim3A_536 : vector<16xi1>, vector<16xf32>
      %broadcast_in_dim3A_556 = arith.constant 2 : i32
      %broadcast_in_dim3A_557 = vector.broadcast %broadcast_in_dim3A_556 : i32 to vector<16xi32>
      tpu.vector_store_idx %arg20[%add3A_534, %broadcast_in_dim3A_557], %select_n3A_555 : memref<256x18xf32, #tpu.memory_space<vmem>>[vector<16xi32>, vector<16xi32>], vector<16xf32>,
      %eq3A_558 = arith.constant 3.000000e+00 : f32
      %eq3A_559 = vector.broadcast %eq3A_558 : f32 to vector<16xf32>
      %eq3A_560 = arith.cmpf oeq, %gather3A_494, %eq3A_559 : vector<16xf32>
      %and3A_561 = arith.andi %lt3A_484, %eq3A_560 : vector<16xi1>
      %select_n3A_562 = arith.select %and3A_561, %gather3A_490, %broadcast_in_dim3A_536 : vector<16xi1>, vector<16xf32>
      %broadcast_in_dim3A_563 = arith.constant 3 : i32
      %broadcast_in_dim3A_564 = vector.broadcast %broadcast_in_dim3A_563 : i32 to vector<16xi32>
      tpu.vector_store_idx %arg20[%add3A_534, %broadcast_in_dim3A_564], %select_n3A_562 : memref<256x18xf32, #tpu.memory_space<vmem>>[vector<16xi32>, vector<16xi32>], vector<16xf32>,
      %eq3A_565 = arith.constant 4.000000e+00 : f32
      %eq3A_566 = vector.broadcast %eq3A_565 : f32 to vector<16xf32>
      %eq3A_567 = arith.cmpf oeq, %gather3A_494, %eq3A_566 : vector<16xf32>
      %and3A_568 = arith.andi %lt3A_484, %eq3A_567 : vector<16xi1>
      %select_n3A_569 = arith.select %and3A_568, %gather3A_490, %broadcast_in_dim3A_536 : vector<16xi1>, vector<16xf32>
      %broadcast_in_dim3A_570 = arith.constant 4 : i32
      %broadcast_in_dim3A_571 = vector.broadcast %broadcast_in_dim3A_570 : i32 to vector<16xi32>
      tpu.vector_store_idx %arg20[%add3A_534, %broadcast_in_dim3A_571], %select_n3A_569 : memref<256x18xf32, #tpu.memory_space<vmem>>[vector<16xi32>, vector<16xi32>], vector<16xf32>,
      %eq3A_572 = arith.constant 5.000000e+00 : f32
      %eq3A_573 = vector.broadcast %eq3A_572 : f32 to vector<16xf32>
      %eq3A_574 = arith.cmpf oeq, %gather3A_494, %eq3A_573 : vector<16xf32>
      %and3A_575 = arith.andi %lt3A_484, %eq3A_574 : vector<16xi1>
      %select_n3A_576 = arith.select %and3A_575, %gather3A_490, %broadcast_in_dim3A_536 : vector<16xi1>, vector<16xf32>
      %broadcast_in_dim3A_577 = arith.constant 5 : i32
      %broadcast_in_dim3A_578 = vector.broadcast %broadcast_in_dim3A_577 : i32 to vector<16xi32>
      tpu.vector_store_idx %arg20[%add3A_534, %broadcast_in_dim3A_578], %select_n3A_576 : memref<256x18xf32, #tpu.memory_space<vmem>>[vector<16xi32>, vector<16xi32>], vector<16xf32>,
      %eq3A_579 = arith.constant 6.000000e+00 : f32
      %eq3A_580 = vector.broadcast %eq3A_579 : f32 to vector<16xf32>
      %eq3A_581 = arith.cmpf oeq, %gather3A_494, %eq3A_580 : vector<16xf32>
      %and3A_582 = arith.andi %lt3A_484, %eq3A_581 : vector<16xi1>
      %select_n3A_583 = arith.select %and3A_582, %gather3A_490, %broadcast_in_dim3A_536 : vector<16xi1>, vector<16xf32>
      %broadcast_in_dim3A_584 = arith.constant 6 : i32
      %broadcast_in_dim3A_585 = vector.broadcast %broadcast_in_dim3A_584 : i32 to vector<16xi32>
      tpu.vector_store_idx %arg20[%add3A_534, %broadcast_in_dim3A_585], %select_n3A_583 : memref<256x18xf32, #tpu.memory_space<vmem>>[vector<16xi32>, vector<16xi32>], vector<16xf32>,
      %eq3A_586 = arith.constant 7.000000e+00 : f32
      %eq3A_587 = vector.broadcast %eq3A_586 : f32 to vector<16xf32>
      %eq3A_588 = arith.cmpf oeq, %gather3A_494, %eq3A_587 : vector<16xf32>
      %and3A_589 = arith.andi %lt3A_484, %eq3A_588 : vector<16xi1>
      %select_n3A_590 = arith.select %and3A_589, %gather3A_490, %broadcast_in_dim3A_536 : vector<16xi1>, vector<16xf32>
      %broadcast_in_dim3A_591 = arith.constant 7 : i32
      %broadcast_in_dim3A_592 = vector.broadcast %broadcast_in_dim3A_591 : i32 to vector<16xi32>
      tpu.vector_store_idx %arg20[%add3A_534, %broadcast_in_dim3A_592], %select_n3A_590 : memref<256x18xf32, #tpu.memory_space<vmem>>[vector<16xi32>, vector<16xi32>], vector<16xf32>,
      %eq3A_593 = arith.constant 8.000000e+00 : f32
      %eq3A_594 = vector.broadcast %eq3A_593 : f32 to vector<16xf32>
      %eq3A_595 = arith.cmpf oeq, %gather3A_494, %eq3A_594 : vector<16xf32>
      %and3A_596 = arith.andi %lt3A_484, %eq3A_595 : vector<16xi1>
      %select_n3A_597 = arith.select %and3A_596, %gather3A_490, %broadcast_in_dim3A_536 : vector<16xi1>, vector<16xf32>
      %broadcast_in_dim3A_598 = arith.constant 8 : i32
      %broadcast_in_dim3A_599 = vector.broadcast %broadcast_in_dim3A_598 : i32 to vector<16xi32>
      tpu.vector_store_idx %arg20[%add3A_534, %broadcast_in_dim3A_599], %select_n3A_597 : memref<256x18xf32, #tpu.memory_space<vmem>>[vector<16xi32>, vector<16xi32>], vector<16xf32>,
      %eq3A_600 = arith.constant 9.000000e+00 : f32
      %eq3A_601 = vector.broadcast %eq3A_600 : f32 to vector<16xf32>
      %eq3A_602 = arith.cmpf oeq, %gather3A_494, %eq3A_601 : vector<16xf32>
      %and3A_603 = arith.andi %lt3A_484, %eq3A_602 : vector<16xi1>
      %select_n3A_604 = arith.select %and3A_603, %gather3A_490, %broadcast_in_dim3A_536 : vector<16xi1>, vector<16xf32>
      %broadcast_in_dim3A_605 = arith.constant 9 : i32
      %broadcast_in_dim3A_606 = vector.broadcast %broadcast_in_dim3A_605 : i32 to vector<16xi32>
      tpu.vector_store_idx %arg20[%add3A_534, %broadcast_in_dim3A_606], %select_n3A_604 : memref<256x18xf32, #tpu.memory_space<vmem>>[vector<16xi32>, vector<16xi32>], vector<16xf32>,
      %mul3A_607 = arith.mulf %add3A_499, %mul3A_532 : vector<16xf32>
      %mul3A_608 = arith.mulf %add3A_501, %mul3A_532 : vector<16xf32>
      %mul3A_609 = arith.mulf %get3A_477, %mul3A_532 : vector<16xf32>
      %select_n3A_610 = arith.select %lt3A_484, %add3A_499, %broadcast_in_dim3A_536 : vector<16xi1>, vector<16xf32>
      %broadcast_in_dim3A_611 = arith.constant 13 : i32
      %broadcast_in_dim3A_612 = vector.broadcast %broadcast_in_dim3A_611 : i32 to vector<16xi32>
      tpu.vector_store_idx %arg20[%add3A_534, %broadcast_in_dim3A_612], %select_n3A_610 : memref<256x18xf32, #tpu.memory_space<vmem>>[vector<16xi32>, vector<16xi32>], vector<16xf32>,
      %select_n3A_613 = arith.select %lt3A_484, %add3A_501, %broadcast_in_dim3A_536 : vector<16xi1>, vector<16xf32>
      %broadcast_in_dim3A_614 = arith.constant 14 : i32
      %broadcast_in_dim3A_615 = vector.broadcast %broadcast_in_dim3A_614 : i32 to vector<16xi32>
      tpu.vector_store_idx %arg20[%add3A_534, %broadcast_in_dim3A_615], %select_n3A_613 : memref<256x18xf32, #tpu.memory_space<vmem>>[vector<16xi32>, vector<16xi32>], vector<16xf32>,
      %select_n3A_616 = arith.select %lt3A_484, %mul3A_607, %broadcast_in_dim3A_536 : vector<16xi1>, vector<16xf32>
      %broadcast_in_dim3A_617 = arith.constant 15 : i32
      %broadcast_in_dim3A_618 = vector.broadcast %broadcast_in_dim3A_617 : i32 to vector<16xi32>
      tpu.vector_store_idx %arg20[%add3A_534, %broadcast_in_dim3A_618], %select_n3A_616 : memref<256x18xf32, #tpu.memory_space<vmem>>[vector<16xi32>, vector<16xi32>], vector<16xf32>,
      %select_n3A_619 = arith.select %lt3A_484, %mul3A_608, %broadcast_in_dim3A_536 : vector<16xi1>, vector<16xf32>
      %broadcast_in_dim3A_620 = arith.constant 16 : i32
      %broadcast_in_dim3A_621 = vector.broadcast %broadcast_in_dim3A_620 : i32 to vector<16xi32>
      tpu.vector_store_idx %arg20[%add3A_534, %broadcast_in_dim3A_621], %select_n3A_619 : memref<256x18xf32, #tpu.memory_space<vmem>>[vector<16xi32>, vector<16xi32>], vector<16xf32>,
      %select_n3A_622 = arith.select %lt3A_484, %mul3A_609, %broadcast_in_dim3A_536 : vector<16xi1>, vector<16xf32>
      %broadcast_in_dim3A_623 = arith.constant 17 : i32
      %broadcast_in_dim3A_624 = vector.broadcast %broadcast_in_dim3A_623 : i32 to vector<16xi32>
      tpu.vector_store_idx %arg20[%add3A_534, %broadcast_in_dim3A_624], %select_n3A_622 : memref<256x18xf32, #tpu.memory_space<vmem>>[vector<16xi32>, vector<16xi32>], vector<16xf32>,
      %scan3A_625 = arith.constant 0 : i32
      scf.yield %scan3A_625 : i32
    }
    %scan3A_217 = arith.constant 16 : i32
    %dma_wait3A_218 = arith.constant 0 : i32
    %dma_wait3A_219 = tpu.memref_slice %arg17[%dma_wait3A_218] : memref<768xf32, #tpu.memory_space<vmem>> -> memref<128xf32, #tpu.memory_space<vmem>>
    %dma_wait3A_220 = arith.constant 0 : i32
    %dma_wait3A_221 = tpu.memref_slice %arg16[%dma_wait3A_220] : memref<768xi32, #tpu.memory_space<vmem>> -> memref<128xi32, #tpu.memory_space<vmem>>
    %dma_wait3A_222 = arith.constant 0 : i32
    %dma_wait3A_223 = tpu.memref_slice %arg5[%dma_wait3A_222] : memref<1572864xf32, #tpu.memory_space<hbm>> -> memref<1572864xf32, #tpu.memory_space<hbm>>
    tpu.wait_indirect_dma semaphore(%arg21 : memref<!tpu.dma_semaphore, #tpu.memory_space<semaphore_mem>>) src(%dma_wait3A_223 : memref<1572864xf32, #tpu.memory_space<hbm>>) dst(%dma_wait3A_219 : memref<128xf32, #tpu.memory_space<vmem>>)
    %dma_wait3A_224 = arith.constant 128 : i32
    %dma_wait3A_225 = tpu.memref_slice %arg17[%dma_wait3A_224] : memref<768xf32, #tpu.memory_space<vmem>> -> memref<128xf32, #tpu.memory_space<vmem>>
    %dma_wait3A_226 = arith.constant 128 : i32
    %dma_wait3A_227 = tpu.memref_slice %arg16[%dma_wait3A_226] : memref<768xi32, #tpu.memory_space<vmem>> -> memref<128xi32, #tpu.memory_space<vmem>>
    %dma_wait3A_228 = arith.constant 0 : i32
    %dma_wait3A_229 = tpu.memref_slice %arg5[%dma_wait3A_228] : memref<1572864xf32, #tpu.memory_space<hbm>> -> memref<1572864xf32, #tpu.memory_space<hbm>>
    tpu.wait_indirect_dma semaphore(%arg21 : memref<!tpu.dma_semaphore, #tpu.memory_space<semaphore_mem>>) src(%dma_wait3A_229 : memref<1572864xf32, #tpu.memory_space<hbm>>) dst(%dma_wait3A_225 : memref<128xf32, #tpu.memory_space<vmem>>)
    %dma_wait3A_230 = arith.constant 256 : i32
    %dma_wait3A_231 = tpu.memref_slice %arg17[%dma_wait3A_230] : memref<768xf32, #tpu.memory_space<vmem>> -> memref<128xf32, #tpu.memory_space<vmem>>
    %dma_wait3A_232 = arith.constant 256 : i32
    %dma_wait3A_233 = tpu.memref_slice %arg16[%dma_wait3A_232] : memref<768xi32, #tpu.memory_space<vmem>> -> memref<128xi32, #tpu.memory_space<vmem>>
    %dma_wait3A_234 = arith.constant 0 : i32
    %dma_wait3A_235 = tpu.memref_slice %arg5[%dma_wait3A_234] : memref<1572864xf32, #tpu.memory_space<hbm>> -> memref<1572864xf32, #tpu.memory_space<hbm>>
    tpu.wait_indirect_dma semaphore(%arg21 : memref<!tpu.dma_semaphore, #tpu.memory_space<semaphore_mem>>) src(%dma_wait3A_235 : memref<1572864xf32, #tpu.memory_space<hbm>>) dst(%dma_wait3A_231 : memref<128xf32, #tpu.memory_space<vmem>>)
    %dma_wait3A_236 = arith.constant 384 : i32
    %dma_wait3A_237 = tpu.memref_slice %arg17[%dma_wait3A_236] : memref<768xf32, #tpu.memory_space<vmem>> -> memref<128xf32, #tpu.memory_space<vmem>>
    %dma_wait3A_238 = arith.constant 384 : i32
    %dma_wait3A_239 = tpu.memref_slice %arg16[%dma_wait3A_238] : memref<768xi32, #tpu.memory_space<vmem>> -> memref<128xi32, #tpu.memory_space<vmem>>
    %dma_wait3A_240 = arith.constant 0 : i32
    %dma_wait3A_241 = tpu.memref_slice %arg5[%dma_wait3A_240] : memref<1572864xf32, #tpu.memory_space<hbm>> -> memref<1572864xf32, #tpu.memory_space<hbm>>
    tpu.wait_indirect_dma semaphore(%arg21 : memref<!tpu.dma_semaphore, #tpu.memory_space<semaphore_mem>>) src(%dma_wait3A_241 : memref<1572864xf32, #tpu.memory_space<hbm>>) dst(%dma_wait3A_237 : memref<128xf32, #tpu.memory_space<vmem>>)
    %dma_wait3A_242 = arith.constant 512 : i32
    %dma_wait3A_243 = tpu.memref_slice %arg17[%dma_wait3A_242] : memref<768xf32, #tpu.memory_space<vmem>> -> memref<128xf32, #tpu.memory_space<vmem>>
    %dma_wait3A_244 = arith.constant 512 : i32
    %dma_wait3A_245 = tpu.memref_slice %arg16[%dma_wait3A_244] : memref<768xi32, #tpu.memory_space<vmem>> -> memref<128xi32, #tpu.memory_space<vmem>>
    %dma_wait3A_246 = arith.constant 0 : i32
    %dma_wait3A_247 = tpu.memref_slice %arg5[%dma_wait3A_246] : memref<1572864xf32, #tpu.memory_space<hbm>> -> memref<1572864xf32, #tpu.memory_space<hbm>>
    tpu.wait_indirect_dma semaphore(%arg21 : memref<!tpu.dma_semaphore, #tpu.memory_space<semaphore_mem>>) src(%dma_wait3A_247 : memref<1572864xf32, #tpu.memory_space<hbm>>) dst(%dma_wait3A_243 : memref<128xf32, #tpu.memory_space<vmem>>)
    %dma_wait3A_248 = arith.constant 640 : i32
    %dma_wait3A_249 = tpu.memref_slice %arg17[%dma_wait3A_248] : memref<768xf32, #tpu.memory_space<vmem>> -> memref<128xf32, #tpu.memory_space<vmem>>
    %dma_wait3A_250 = arith.constant 640 : i32
    %dma_wait3A_251 = tpu.memref_slice %arg16[%dma_wait3A_250] : memref<768xi32, #tpu.memory_space<vmem>> -> memref<128xi32, #tpu.memory_space<vmem>>
    %dma_wait3A_252 = arith.constant 0 : i32
    %dma_wait3A_253 = tpu.memref_slice %arg5[%dma_wait3A_252] : memref<1572864xf32, #tpu.memory_space<hbm>> -> memref<1572864xf32, #tpu.memory_space<hbm>>
    tpu.wait_indirect_dma semaphore(%arg21 : memref<!tpu.dma_semaphore, #tpu.memory_space<semaphore_mem>>) src(%dma_wait3A_253 : memref<1572864xf32, #tpu.memory_space<hbm>>) dst(%dma_wait3A_249 : memref<128xf32, #tpu.memory_space<vmem>>)
    %scan3A_254 = arith.constant 0 : i32
    %scan3A_255 = arith.constant 0 : i32
    %scan3A_256 = arith.constant 8 : i32
    %scan3A_257 = arith.addi %scan3A_255, %scan3A_256 : i32
    %scan3A_258 = arith.constant 2 : i32
    %scan3A_259 = scf.for %scan3A_294 = %scan3A_255 to %scan3A_257 step %scan3A_258 iter_args(%scan3A_295 = %scan3A_254) -> (i32)  : i32 {
      %mul3A_296 = arith.constant 16 : i32
      %mul3A_297 = arith.muli %scan3A_294, %mul3A_296 : i32
      %get3A_298 = arith.index_cast %mul3A_297 : i32 to index
      %get3A_299 = tpu.vector_load %arg19[%get3A_298] {strides = array<i32>} : memref<256xf32, #tpu.memory_space<vmem>>, vector<16xf32>,
      %lt3A_300 = arith.constant 0.000000e+00 : f32
      %lt3A_301 = vector.broadcast %lt3A_300 : f32 to vector<16xf32>
      %lt3A_302 = arith.cmpf olt, %get3A_299, %lt3A_301 : vector<16xf32>
      %add3A_303 = vector.broadcast %mul3A_297 : i32 to vector<16xi32>
      %add3A_304 = arith.addi %iota3A, %add3A_303 : vector<16xi32>
      %broadcast_in_dim3A = arith.constant 0.000000e+00 : f32
      %broadcast_in_dim3A_305 = vector.broadcast %broadcast_in_dim3A : f32 to vector<16xf32>
      %add3A_306 = arith.constant 0 : i32
      %add3A_307 = arith.addi %add3A_306, %mul3A_297 : i32
      %get3A_308 = arith.index_cast %add3A_307 : i32 to index
      %get3A_309 = tpu.vector_load %arg17[%get3A_308] {strides = array<i32>} : memref<768xf32, #tpu.memory_space<vmem>>, vector<16xf32>,
      %select_n3A_310 = arith.select %lt3A_302, %get3A_309, %broadcast_in_dim3A_305 : vector<16xi1>, vector<16xf32>
      %broadcast_in_dim3A_311 = arith.constant 10 : i32
      %broadcast_in_dim3A_312 = vector.broadcast %broadcast_in_dim3A_311 : i32 to vector<16xi32>
      tpu.vector_store_idx %arg20[%add3A_304, %broadcast_in_dim3A_312], %select_n3A_310 : memref<256x18xf32, #tpu.memory_space<vmem>>[vector<16xi32>, vector<16xi32>], vector<16xf32>,
      %add3A_313 = arith.constant 256 : i32
      %add3A_314 = arith.addi %add3A_313, %mul3A_297 : i32
      %get3A_315 = arith.index_cast %add3A_314 : i32 to index
      %get3A_316 = tpu.vector_load %arg17[%get3A_315] {strides = array<i32>} : memref<768xf32, #tpu.memory_space<vmem>>, vector<16xf32>,
      %select_n3A_317 = arith.select %lt3A_302, %get3A_316, %broadcast_in_dim3A_305 : vector<16xi1>, vector<16xf32>
      %broadcast_in_dim3A_318 = arith.constant 11 : i32
      %broadcast_in_dim3A_319 = vector.broadcast %broadcast_in_dim3A_318 : i32 to vector<16xi32>
      tpu.vector_store_idx %arg20[%add3A_304, %broadcast_in_dim3A_319], %select_n3A_317 : memref<256x18xf32, #tpu.memory_space<vmem>>[vector<16xi32>, vector<16xi32>], vector<16xf32>,
      %add3A_320 = arith.constant 512 : i32
      %add3A_321 = arith.addi %add3A_320, %mul3A_297 : i32
      %get3A_322 = arith.index_cast %add3A_321 : i32 to index
      %get3A_323 = tpu.vector_load %arg17[%get3A_322] {strides = array<i32>} : memref<768xf32, #tpu.memory_space<vmem>>, vector<16xf32>,
      %select_n3A_324 = arith.select %lt3A_302, %get3A_323, %broadcast_in_dim3A_305 : vector<16xi1>, vector<16xf32>
      %broadcast_in_dim3A_325 = arith.constant 12 : i32
      %broadcast_in_dim3A_326 = vector.broadcast %broadcast_in_dim3A_325 : i32 to vector<16xi32>
      tpu.vector_store_idx %arg20[%add3A_304, %broadcast_in_dim3A_326], %select_n3A_324 : memref<256x18xf32, #tpu.memory_space<vmem>>[vector<16xi32>, vector<16xi32>], vector<16xf32>,
      %scan3A_327 = arith.constant 0 : i32
      %scan3A_328 = arith.constant 1 : i32
      %scan3A_329 = arith.addi %scan3A_294, %scan3A_328 : i32
      %mul3A_330 = arith.constant 16 : i32
      %mul3A_331 = arith.muli %scan3A_329, %mul3A_330 : i32
      %get3A_332 = arith.index_cast %mul3A_331 : i32 to index
      %get3A_333 = tpu.vector_load %arg19[%get3A_332] {strides = array<i32>} : memref<256xf32, #tpu.memory_space<vmem>>, vector<16xf32>,
      %lt3A_334 = arith.constant 0.000000e+00 : f32
      %lt3A_335 = vector.broadcast %lt3A_334 : f32 to vector<16xf32>
      %lt3A_336 = arith.cmpf olt, %get3A_333, %lt3A_335 : vector<16xf32>
      %add3A_337 = vector.broadcast %mul3A_331 : i32 to vector<16xi32>
      %add3A_338 = arith.addi %iota3A, %add3A_337 : vector<16xi32>
      %broadcast_in_dim3A_339 = arith.constant 0.000000e+00 : f32
      %broadcast_in_dim3A_340 = vector.broadcast %broadcast_in_dim3A_339 : f32 to vector<16xf32>
      %add3A_341 = arith.constant 0 : i32
      %add3A_342 = arith.addi %add3A_341, %mul3A_331 : i32
      %get3A_343 = arith.index_cast %add3A_342 : i32 to index
      %get3A_344 = tpu.vector_load %arg17[%get3A_343] {strides = array<i32>} : memref<768xf32, #tpu.memory_space<vmem>>, vector<16xf32>,
      %select_n3A_345 = arith.select %lt3A_336, %get3A_344, %broadcast_in_dim3A_340 : vector<16xi1>, vector<16xf32>
      %broadcast_in_dim3A_346 = arith.constant 10 : i32
      %broadcast_in_dim3A_347 = vector.broadcast %broadcast_in_dim3A_346 : i32 to vector<16xi32>
      tpu.vector_store_idx %arg20[%add3A_338, %broadcast_in_dim3A_347], %select_n3A_345 : memref<256x18xf32, #tpu.memory_space<vmem>>[vector<16xi32>, vector<16xi32>], vector<16xf32>,
      %add3A_348 = arith.constant 256 : i32
      %add3A_349 = arith.addi %add3A_348, %mul3A_331 : i32
      %get3A_350 = arith.index_cast %add3A_349 : i32 to index
      %get3A_351 = tpu.vector_load %arg17[%get3A_350] {strides = array<i32>} : memref<768xf32, #tpu.memory_space<vmem>>, vector<16xf32>,
      %select_n3A_352 = arith.select %lt3A_336, %get3A_351, %broadcast_in_dim3A_340 : vector<16xi1>, vector<16xf32>
      %broadcast_in_dim3A_353 = arith.constant 11 : i32
      %broadcast_in_dim3A_354 = vector.broadcast %broadcast_in_dim3A_353 : i32 to vector<16xi32>
      tpu.vector_store_idx %arg20[%add3A_338, %broadcast_in_dim3A_354], %select_n3A_352 : memref<256x18xf32, #tpu.memory_space<vmem>>[vector<16xi32>, vector<16xi32>], vector<16xf32>,
      %add3A_355 = arith.constant 512 : i32
      %add3A_356 = arith.addi %add3A_355, %mul3A_331 : i32
      %get3A_357 = arith.index_cast %add3A_356 : i32 to index
      %get3A_358 = tpu.vector_load %arg17[%get3A_357] {strides = array<i32>} : memref<768xf32, #tpu.memory_space<vmem>>, vector<16xf32>,
      %select_n3A_359 = arith.select %lt3A_336, %get3A_358, %broadcast_in_dim3A_340 : vector<16xi1>, vector<16xf32>
      %broadcast_in_dim3A_360 = arith.constant 12 : i32
      %broadcast_in_dim3A_361 = vector.broadcast %broadcast_in_dim3A_360 : i32 to vector<16xi32>
      tpu.vector_store_idx %arg20[%add3A_338, %broadcast_in_dim3A_361], %select_n3A_359 : memref<256x18xf32, #tpu.memory_space<vmem>>[vector<16xi32>, vector<16xi32>], vector<16xf32>,
      %scan3A_362 = arith.constant 0 : i32
      scf.yield %scan3A_362 : i32
    }
    %scan3A_260 = arith.constant 8 : i32
    %dma_start3A_261 = arith.constant 0 : i32
    %dma_start3A_262 = arith.constant 0 : i32
    %dma_start3A_263 = tpu.memref_slice %arg20[%dma_start3A_261, %dma_start3A_262] : memref<256x18xf32, #tpu.memory_space<vmem>> -> memref<128x18xf32, #tpu.memory_space<vmem>>
    %dma_start3A_264 = arith.constant 0 : i32
    %dma_start3A_265 = tpu.memref_slice %arg9[%select_n3A, %mul3A_32, %dma_start3A_264] : memref<2x4096x18xf32, #tpu.memory_space<hbm>> -> memref<1x128x18xf32, #tpu.memory_space<hbm>>
    %dma_start3A_266 = tpu.memref_squeeze %dma_start3A_265 : memref<1x128x18xf32, #tpu.memory_space<hbm>> -> memref<128x18xf32, #tpu.memory_space<hbm>>
    %dma_start3A_267 = arith.constant 0 : i32
    %dma_start3A_268 = tpu.memref_slice %arg9[%select_n3A, %mul3A_32, %dma_start3A_267] : memref<2x4096x18xf32, #tpu.memory_space<hbm>> -> memref<1x128x18xf32, #tpu.memory_space<hbm>>
    %dma_start3A_269 = tpu.memref_squeeze %dma_start3A_268 : memref<1x128x18xf32, #tpu.memory_space<hbm>> -> memref<128x18xf32, #tpu.memory_space<hbm>>
    %dma_start3A_270 = arith.constant 0 : i32
    %dma_start3A_271 = arith.constant 0 : i32
    %dma_start3A_272 = tpu.memref_slice %arg20[%dma_start3A_270, %dma_start3A_271] : memref<256x18xf32, #tpu.memory_space<vmem>> -> memref<128x18xf32, #tpu.memory_space<vmem>>
    tpu.enqueue_dma source(%dma_start3A_272 : memref<128x18xf32, #tpu.memory_space<vmem>>) target(%dma_start3A_269 : memref<128x18xf32, #tpu.memory_space<hbm>>) target_semaphore(%arg22 : memref<!tpu.dma_semaphore, #tpu.memory_space<semaphore_mem>>)
    %scan3A_273 = arith.constant 0 : i32
    %scan3A_274 = arith.constant 8 : i32
    %scan3A_275 = arith.constant 8 : i32
    %scan3A_276 = arith.addi %scan3A_274, %scan3A_275 : i32
    %scan3A_277 = arith.constant 2 : i32
    %scan3A_278 = scf.for %scan3A_294 = %scan3A_274 to %scan3A_276 step %scan3A_277 iter_args(%scan3A_295 = %scan3A_273) -> (i32)  : i32 {
      %mul3A_296 = arith.constant 16 : i32
      %mul3A_297 = arith.muli %scan3A_294, %mul3A_296 : i32
      %get3A_298 = arith.index_cast %mul3A_297 : i32 to index
      %get3A_299 = tpu.vector_load %arg19[%get3A_298] {strides = array<i32>} : memref<256xf32, #tpu.memory_space<vmem>>, vector<16xf32>,
      %lt3A_300 = arith.constant 0.000000e+00 : f32
      %lt3A_301 = vector.broadcast %lt3A_300 : f32 to vector<16xf32>
      %lt3A_302 = arith.cmpf olt, %get3A_299, %lt3A_301 : vector<16xf32>
      %add3A_303 = vector.broadcast %mul3A_297 : i32 to vector<16xi32>
      %add3A_304 = arith.addi %iota3A, %add3A_303 : vector<16xi32>
      %broadcast_in_dim3A = arith.constant 0.000000e+00 : f32
      %broadcast_in_dim3A_305 = vector.broadcast %broadcast_in_dim3A : f32 to vector<16xf32>
      %add3A_306 = arith.constant 0 : i32
      %add3A_307 = arith.addi %add3A_306, %mul3A_297 : i32
      %get3A_308 = arith.index_cast %add3A_307 : i32 to index
      %get3A_309 = tpu.vector_load %arg17[%get3A_308] {strides = array<i32>} : memref<768xf32, #tpu.memory_space<vmem>>, vector<16xf32>,
      %select_n3A_310 = arith.select %lt3A_302, %get3A_309, %broadcast_in_dim3A_305 : vector<16xi1>, vector<16xf32>
      %broadcast_in_dim3A_311 = arith.constant 10 : i32
      %broadcast_in_dim3A_312 = vector.broadcast %broadcast_in_dim3A_311 : i32 to vector<16xi32>
      tpu.vector_store_idx %arg20[%add3A_304, %broadcast_in_dim3A_312], %select_n3A_310 : memref<256x18xf32, #tpu.memory_space<vmem>>[vector<16xi32>, vector<16xi32>], vector<16xf32>,
      %add3A_313 = arith.constant 256 : i32
      %add3A_314 = arith.addi %add3A_313, %mul3A_297 : i32
      %get3A_315 = arith.index_cast %add3A_314 : i32 to index
      %get3A_316 = tpu.vector_load %arg17[%get3A_315] {strides = array<i32>} : memref<768xf32, #tpu.memory_space<vmem>>, vector<16xf32>,
      %select_n3A_317 = arith.select %lt3A_302, %get3A_316, %broadcast_in_dim3A_305 : vector<16xi1>, vector<16xf32>
      %broadcast_in_dim3A_318 = arith.constant 11 : i32
      %broadcast_in_dim3A_319 = vector.broadcast %broadcast_in_dim3A_318 : i32 to vector<16xi32>
      tpu.vector_store_idx %arg20[%add3A_304, %broadcast_in_dim3A_319], %select_n3A_317 : memref<256x18xf32, #tpu.memory_space<vmem>>[vector<16xi32>, vector<16xi32>], vector<16xf32>,
      %add3A_320 = arith.constant 512 : i32
      %add3A_321 = arith.addi %add3A_320, %mul3A_297 : i32
      %get3A_322 = arith.index_cast %add3A_321 : i32 to index
      %get3A_323 = tpu.vector_load %arg17[%get3A_322] {strides = array<i32>} : memref<768xf32, #tpu.memory_space<vmem>>, vector<16xf32>,
      %select_n3A_324 = arith.select %lt3A_302, %get3A_323, %broadcast_in_dim3A_305 : vector<16xi1>, vector<16xf32>
      %broadcast_in_dim3A_325 = arith.constant 12 : i32
      %broadcast_in_dim3A_326 = vector.broadcast %broadcast_in_dim3A_325 : i32 to vector<16xi32>
      tpu.vector_store_idx %arg20[%add3A_304, %broadcast_in_dim3A_326], %select_n3A_324 : memref<256x18xf32, #tpu.memory_space<vmem>>[vector<16xi32>, vector<16xi32>], vector<16xf32>,
      %scan3A_327 = arith.constant 0 : i32
      %scan3A_328 = arith.constant 1 : i32
      %scan3A_329 = arith.addi %scan3A_294, %scan3A_328 : i32
      %mul3A_330 = arith.constant 16 : i32
      %mul3A_331 = arith.muli %scan3A_329, %mul3A_330 : i32
      %get3A_332 = arith.index_cast %mul3A_331 : i32 to index
      %get3A_333 = tpu.vector_load %arg19[%get3A_332] {strides = array<i32>} : memref<256xf32, #tpu.memory_space<vmem>>, vector<16xf32>,
      %lt3A_334 = arith.constant 0.000000e+00 : f32
      %lt3A_335 = vector.broadcast %lt3A_334 : f32 to vector<16xf32>
      %lt3A_336 = arith.cmpf olt, %get3A_333, %lt3A_335 : vector<16xf32>
      %add3A_337 = vector.broadcast %mul3A_331 : i32 to vector<16xi32>
      %add3A_338 = arith.addi %iota3A, %add3A_337 : vector<16xi32>
      %broadcast_in_dim3A_339 = arith.constant 0.000000e+00 : f32
      %broadcast_in_dim3A_340 = vector.broadcast %broadcast_in_dim3A_339 : f32 to vector<16xf32>
      %add3A_341 = arith.constant 0 : i32
      %add3A_342 = arith.addi %add3A_341, %mul3A_331 : i32
      %get3A_343 = arith.index_cast %add3A_342 : i32 to index
      %get3A_344 = tpu.vector_load %arg17[%get3A_343] {strides = array<i32>} : memref<768xf32, #tpu.memory_space<vmem>>, vector<16xf32>,
      %select_n3A_345 = arith.select %lt3A_336, %get3A_344, %broadcast_in_dim3A_340 : vector<16xi1>, vector<16xf32>
      %broadcast_in_dim3A_346 = arith.constant 10 : i32
      %broadcast_in_dim3A_347 = vector.broadcast %broadcast_in_dim3A_346 : i32 to vector<16xi32>
      tpu.vector_store_idx %arg20[%add3A_338, %broadcast_in_dim3A_347], %select_n3A_345 : memref<256x18xf32, #tpu.memory_space<vmem>>[vector<16xi32>, vector<16xi32>], vector<16xf32>,
      %add3A_348 = arith.constant 256 : i32
      %add3A_349 = arith.addi %add3A_348, %mul3A_331 : i32
      %get3A_350 = arith.index_cast %add3A_349 : i32 to index
      %get3A_351 = tpu.vector_load %arg17[%get3A_350] {strides = array<i32>} : memref<768xf32, #tpu.memory_space<vmem>>, vector<16xf32>,
      %select_n3A_352 = arith.select %lt3A_336, %get3A_351, %broadcast_in_dim3A_340 : vector<16xi1>, vector<16xf32>
      %broadcast_in_dim3A_353 = arith.constant 11 : i32
      %broadcast_in_dim3A_354 = vector.broadcast %broadcast_in_dim3A_353 : i32 to vector<16xi32>
      tpu.vector_store_idx %arg20[%add3A_338, %broadcast_in_dim3A_354], %select_n3A_352 : memref<256x18xf32, #tpu.memory_space<vmem>>[vector<16xi32>, vector<16xi32>], vector<16xf32>,
      %add3A_355 = arith.constant 512 : i32
      %add3A_356 = arith.addi %add3A_355, %mul3A_331 : i32
      %get3A_357 = arith.index_cast %add3A_356 : i32 to index
      %get3A_358 = tpu.vector_load %arg17[%get3A_357] {strides = array<i32>} : memref<768xf32, #tpu.memory_space<vmem>>, vector<16xf32>,
      %select_n3A_359 = arith.select %lt3A_336, %get3A_358, %broadcast_in_dim3A_340 : vector<16xi1>, vector<16xf32>
      %broadcast_in_dim3A_360 = arith.constant 12 : i32
      %broadcast_in_dim3A_361 = vector.broadcast %broadcast_in_dim3A_360 : i32 to vector<16xi32>
      tpu.vector_store_idx %arg20[%add3A_338, %broadcast_in_dim3A_361], %select_n3A_359 : memref<256x18xf32, #tpu.memory_space<vmem>>[vector<16xi32>, vector<16xi32>], vector<16xf32>,
      %scan3A_362 = arith.constant 0 : i32
      scf.yield %scan3A_362 : i32
    }
    %scan3A_279 = arith.constant 8 : i32
    %dma_wait3A_280 = arith.constant 0 : i32
    %dma_wait3A_281 = arith.constant 0 : i32
    %dma_wait3A_282 = tpu.memref_slice %arg20[%dma_wait3A_280, %dma_wait3A_281] : memref<256x18xf32, #tpu.memory_space<vmem>> -> memref<128x18xf32, #tpu.memory_space<vmem>>
    %dma_wait3A_283 = arith.constant 0 : i32
    %dma_wait3A_284 = tpu.memref_slice %arg9[%select_n3A, %mul3A_32, %dma_wait3A_283] : memref<2x4096x18xf32, #tpu.memory_space<hbm>> -> memref<1x128x18xf32, #tpu.memory_space<hbm>>
    %dma_wait3A_285 = tpu.memref_squeeze %dma_wait3A_284 : memref<1x128x18xf32, #tpu.memory_space<hbm>> -> memref<128x18xf32, #tpu.memory_space<hbm>>
    %dma_wait3A_286 = arith.constant 0 : i32
    %dma_wait3A_287 = tpu.memref_slice %arg9[%select_n3A, %mul3A_32, %dma_wait3A_286] : memref<2x4096x18xf32, #tpu.memory_space<hbm>> -> memref<1x128x18xf32, #tpu.memory_space<hbm>>
    %dma_wait3A_288 = tpu.memref_squeeze %dma_wait3A_287 : memref<1x128x18xf32, #tpu.memory_space<hbm>> -> memref<128x18xf32, #tpu.memory_space<hbm>>
    %dma_wait3A_289 = arith.constant 0 : i32
    %dma_wait3A_290 = arith.constant 0 : i32
    %dma_wait3A_291 = tpu.memref_slice %arg20[%dma_wait3A_289, %dma_wait3A_290] : memref<256x18xf32, #tpu.memory_space<vmem>> -> memref<128x18xf32, #tpu.memory_space<vmem>>
    tpu.wait_dma2 semaphore(%arg22 : memref<!tpu.dma_semaphore, #tpu.memory_space<semaphore_mem>>) src(%dma_wait3A_291 : memref<128x18xf32, #tpu.memory_space<vmem>>) dst(%dma_wait3A_288 : memref<128x18xf32, #tpu.memory_space<hbm>>)
    %add3A_292 = arith.constant 128 : i32
    %add3A_293 = arith.addi %mul3A_32, %add3A_292 : i32
    "tpu.region"() ({
      %run_scoped3A = tpu.sem_alloc : memref<!tpu.dma_semaphore, #tpu.memory_space<semaphore_mem>>
      %dma_start3A_294 = arith.constant 128 : i32
      %dma_start3A_295 = arith.constant 0 : i32
      %dma_start3A_296 = tpu.memref_slice %arg20[%dma_start3A_294, %dma_start3A_295] : memref<256x18xf32, #tpu.memory_space<vmem>> -> memref<128x18xf32, #tpu.memory_space<vmem>>
      %dma_start3A_297 = arith.constant 0 : i32
      %dma_start3A_298 = tpu.memref_slice %arg9[%select_n3A, %add3A_293, %dma_start3A_297] : memref<2x4096x18xf32, #tpu.memory_space<hbm>> -> memref<1x128x18xf32, #tpu.memory_space<hbm>>
      %dma_start3A_299 = tpu.memref_squeeze %dma_start3A_298 : memref<1x128x18xf32, #tpu.memory_space<hbm>> -> memref<128x18xf32, #tpu.memory_space<hbm>>
      %dma_start3A_300 = arith.constant 0 : i32
      %dma_start3A_301 = tpu.memref_slice %arg9[%select_n3A, %add3A_293, %dma_start3A_300] : memref<2x4096x18xf32, #tpu.memory_space<hbm>> -> memref<1x128x18xf32, #tpu.memory_space<hbm>>
      %dma_start3A_302 = tpu.memref_squeeze %dma_start3A_301 : memref<1x128x18xf32, #tpu.memory_space<hbm>> -> memref<128x18xf32, #tpu.memory_space<hbm>>
      %dma_start3A_303 = arith.constant 128 : i32
      %dma_start3A_304 = arith.constant 0 : i32
      %dma_start3A_305 = tpu.memref_slice %arg20[%dma_start3A_303, %dma_start3A_304] : memref<256x18xf32, #tpu.memory_space<vmem>> -> memref<128x18xf32, #tpu.memory_space<vmem>>
      tpu.enqueue_dma source(%dma_start3A_305 : memref<128x18xf32, #tpu.memory_space<vmem>>) target(%dma_start3A_302 : memref<128x18xf32, #tpu.memory_space<hbm>>) target_semaphore(%run_scoped3A : memref<!tpu.dma_semaphore, #tpu.memory_space<semaphore_mem>>)
      %dma_wait3A_306 = arith.constant 128 : i32
      %dma_wait3A_307 = arith.constant 0 : i32
      %dma_wait3A_308 = tpu.memref_slice %arg20[%dma_wait3A_306, %dma_wait3A_307] : memref<256x18xf32, #tpu.memory_space<vmem>> -> memref<128x18xf32, #tpu.memory_space<vmem>>
      %dma_wait3A_309 = arith.constant 0 : i32
      %dma_wait3A_310 = tpu.memref_slice %arg9[%select_n3A, %add3A_293, %dma_wait3A_309] : memref<2x4096x18xf32, #tpu.memory_space<hbm>> -> memref<1x128x18xf32, #tpu.memory_space<hbm>>
      %dma_wait3A_311 = tpu.memref_squeeze %dma_wait3A_310 : memref<1x128x18xf32, #tpu.memory_space<hbm>> -> memref<128x18xf32, #tpu.memory_space<hbm>>
      %dma_wait3A_312 = arith.constant 0 : i32
      %dma_wait3A_313 = tpu.memref_slice %arg9[%select_n3A, %add3A_293, %dma_wait3A_312] : memref<2x4096x18xf32, #tpu.memory_space<hbm>> -> memref<1x128x18xf32, #tpu.memory_space<hbm>>
      %dma_wait3A_314 = tpu.memref_squeeze %dma_wait3A_313 : memref<1x128x18xf32, #tpu.memory_space<hbm>> -> memref<128x18xf32, #tpu.memory_space<hbm>>
      %dma_wait3A_315 = arith.constant 128 : i32
      %dma_wait3A_316 = arith.constant 0 : i32
      %dma_wait3A_317 = tpu.memref_slice %arg20[%dma_wait3A_315, %dma_wait3A_316] : memref<256x18xf32, #tpu.memory_space<vmem>> -> memref<128x18xf32, #tpu.memory_space<vmem>>
      tpu.wait_dma2 semaphore(%run_scoped3A : memref<!tpu.dma_semaphore, #tpu.memory_space<semaphore_mem>>) src(%dma_wait3A_317 : memref<128x18xf32, #tpu.memory_space<vmem>>) dst(%dma_wait3A_314 : memref<128x18xf32, #tpu.memory_space<hbm>>)
      tpu.yield
    }) : () -> ()
    return
  }
}

module attributes {stable_mosaic.version = 14 : i64} {
  func.func @_assign_body(%arg0: i32, %arg1: memref<1x128x6xf32, #tpu.memory_space<vmem>>, %arg2: memref<1x2x4096xf32, #tpu.memory_space<vmem>>, %arg3: memref<32x128xi32, #tpu.memory_space<vmem>>, %arg4: memref<32x128xf32, #tpu.memory_space<vmem>>) attributes {dimension_semantics = [#tpu.dimension_semantics<arbitrary>], iteration_bounds = array<i64: 2>, scalar_prefetch = 0 : i64, scratch_operands = 0 : i64, tpu.core_type = #tpu.core_type<tc>, window_params = [{transform_indices = @transform_0, window_bounds = array<i64: 1, 128, 6>}, {transform_indices = @transform_1, window_bounds = array<i64: 1, 2, 4096>}, {transform_indices = @transform_2, window_bounds = array<i64: 32, 128>}, {transform_indices = @transform_3, window_bounds = array<i64: 32, 128>}]} {
    %get3A = arith.constant 0 : index
    %get3A_0 = arith.constant 0 : index
    %get3A_1 = arith.constant 0 : index
    %get3A_2 = vector.load %arg1[%get3A, %get3A_0, %get3A_1] : memref<1x128x6xf32, #tpu.memory_space<vmem>>, vector<1x128x6xf32>
    %get3A_3 = vector.shape_cast %get3A_2 : vector<1x128x6xf32> to vector<128x6xf32>
    %slice3A = vector.extract_strided_slice %get3A_3 {offsets = [0, 0], sizes = [128, 1], strides = [1, 1]} : vector<128x6xf32> to vector<128x1xf32>
    %slice3A_4 = vector.extract_strided_slice %get3A_3 {offsets = [0, 1], sizes = [128, 1], strides = [1, 1]} : vector<128x6xf32> to vector<128x1xf32>
    %slice3A_5 = vector.extract_strided_slice %get3A_3 {offsets = [0, 2], sizes = [128, 1], strides = [1, 1]} : vector<128x6xf32> to vector<128x1xf32>
    %slice3A_6 = vector.extract_strided_slice %get3A_3 {offsets = [0, 3], sizes = [128, 1], strides = [1, 1]} : vector<128x6xf32> to vector<128x1xf32>
    %add3A = arith.addf %slice3A, %slice3A_5 : vector<128x1xf32>
    %mul3A = arith.constant 5.000000e-01 : f32
    %mul3A_7 = vector.broadcast %mul3A : f32 to vector<128x1xf32>
    %mul3A_8 = arith.mulf %add3A, %mul3A_7 : vector<128x1xf32>
    %add3A_9 = arith.addf %slice3A_4, %slice3A_6 : vector<128x1xf32>
    %mul3A_10 = arith.constant 5.000000e-01 : f32
    %mul3A_11 = vector.broadcast %mul3A_10 : f32 to vector<128x1xf32>
    %mul3A_12 = arith.mulf %add3A_9, %mul3A_11 : vector<128x1xf32>
    %sub3A = arith.subf %slice3A_5, %slice3A : vector<128x1xf32>
    %mul3A_13 = arith.constant 5.000000e-01 : f32
    %mul3A_14 = vector.broadcast %mul3A_13 : f32 to vector<128x1xf32>
    %mul3A_15 = arith.mulf %sub3A, %mul3A_14 : vector<128x1xf32>
    %sub3A_16 = arith.subf %slice3A_6, %slice3A_4 : vector<128x1xf32>
    %mul3A_17 = arith.constant 5.000000e-01 : f32
    %mul3A_18 = vector.broadcast %mul3A_17 : f32 to vector<128x1xf32>
    %mul3A_19 = arith.mulf %sub3A_16, %mul3A_18 : vector<128x1xf32>
    %mul3A_20 = arith.mulf %mul3A_15, %mul3A_15 : vector<128x1xf32>
    %mul3A_21 = arith.mulf %mul3A_19, %mul3A_19 : vector<128x1xf32>
    %iota3A = tpu.iota {dimensions = array<i32: 0>} : vector<128x512xi32>
    %get3A_22 = arith.constant 0 : index
    %get3A_23 = arith.constant 0 : index
    %get3A_24 = arith.constant 0 : index
    %get3A_25 = vector.load %arg2[%get3A_22, %get3A_23, %get3A_24] : memref<1x2x4096xf32, #tpu.memory_space<vmem>>, vector<1x1x512xf32>
    %get3A_26 = vector.shape_cast %get3A_25 : vector<1x1x512xf32> to vector<1x512xf32>
    %get3A_27 = arith.constant 0 : index
    %get3A_28 = arith.constant 1 : index
    %get3A_29 = arith.constant 0 : index
    %get3A_30 = vector.load %arg2[%get3A_27, %get3A_28, %get3A_29] : memref<1x2x4096xf32, #tpu.memory_space<vmem>>, vector<1x1x512xf32>
    %get3A_31 = vector.shape_cast %get3A_30 : vector<1x1x512xf32> to vector<1x512xf32>
    %broadcast_in_dim3A = vector.shape_cast %mul3A_8 : vector<128x1xf32> to vector<128x1xf32>
    %broadcast_in_dim3A_32 = vector.broadcast %broadcast_in_dim3A : vector<128x1xf32> to vector<128x512xf32>
    %broadcast_in_dim3A_33 = vector.shape_cast %get3A_26 : vector<1x512xf32> to vector<1x512xf32>
    %broadcast_in_dim3A_34 = vector.broadcast %broadcast_in_dim3A_33 : vector<1x512xf32> to vector<128x512xf32>
    %sub3A_35 = arith.subf %broadcast_in_dim3A_32, %broadcast_in_dim3A_34 : vector<128x512xf32>
    %broadcast_in_dim3A_36 = vector.shape_cast %mul3A_12 : vector<128x1xf32> to vector<128x1xf32>
    %broadcast_in_dim3A_37 = vector.broadcast %broadcast_in_dim3A_36 : vector<128x1xf32> to vector<128x512xf32>
    %broadcast_in_dim3A_38 = vector.shape_cast %get3A_31 : vector<1x512xf32> to vector<1x512xf32>
    %broadcast_in_dim3A_39 = vector.broadcast %broadcast_in_dim3A_38 : vector<1x512xf32> to vector<128x512xf32>
    %sub3A_40 = arith.subf %broadcast_in_dim3A_37, %broadcast_in_dim3A_39 : vector<128x512xf32>
    %mul3A_41 = arith.mulf %sub3A_35, %sub3A_35 : vector<128x512xf32>
    %mul3A_42 = arith.mulf %sub3A_40, %sub3A_40 : vector<128x512xf32>
    %add3A_43 = arith.addf %mul3A_41, %mul3A_42 : vector<128x512xf32>
    %broadcast_in_dim3A_44 = vector.shape_cast %mul3A_20 : vector<128x1xf32> to vector<128x1xf32>
    %broadcast_in_dim3A_45 = vector.broadcast %broadcast_in_dim3A_44 : vector<128x1xf32> to vector<128x512xf32>
    %sub3A_46 = arith.subf %mul3A_41, %broadcast_in_dim3A_45 : vector<128x512xf32>
    %broadcast_in_dim3A_47 = vector.shape_cast %mul3A_21 : vector<128x1xf32> to vector<128x1xf32>
    %broadcast_in_dim3A_48 = vector.broadcast %broadcast_in_dim3A_47 : vector<128x1xf32> to vector<128x512xf32>
    %sub3A_49 = arith.subf %mul3A_42, %broadcast_in_dim3A_48 : vector<128x512xf32>
    %max3A = arith.maximumf %sub3A_46, %sub3A_49 : vector<128x512xf32>
    %reduce_min3A = arith.constant dense<0x7F800000> : vector<512xf32>
    %reduce_min3A_50 = vector.multi_reduction <minimumf>, %add3A_43, %reduce_min3A [0] : vector<128x512xf32> to vector<512xf32>
    %broadcast_in_dim3A_51 = vector.shape_cast %reduce_min3A_50 : vector<512xf32> to vector<1x512xf32>
    %eq3A = vector.broadcast %broadcast_in_dim3A_51 : vector<1x512xf32> to vector<128x512xf32>
    %eq3A_52 = arith.cmpf oeq, %add3A_43, %eq3A : vector<128x512xf32>
    %jit3A = arith.constant 1073741824 : i32
    %broadcast_in_dim3A_53 = vector.broadcast %jit3A : i32 to vector<128x512xi32>
    %select_n3A = arith.select %eq3A_52, %iota3A, %broadcast_in_dim3A_53 : vector<128x512xi1>, vector<128x512xi32>
    %reduce_min3A_54 = arith.constant dense<2147483647> : vector<512xi32>
    %reduce_min3A_55 = vector.multi_reduction <minsi>, %select_n3A, %reduce_min3A_54 [0] : vector<128x512xi32> to vector<512xi32>
    %reduce_min3A_56 = arith.constant dense<0x7F800000> : vector<512xf32>
    %reduce_min3A_57 = vector.multi_reduction <minimumf>, %max3A, %reduce_min3A_56 [0] : vector<128x512xf32> to vector<512xf32>
    %reshape3A = vector.shape_cast %reduce_min3A_55 : vector<512xi32> to vector<4x128xi32>
    %reshape3A_58 = vector.shape_cast %reduce_min3A_57 : vector<512xf32> to vector<4x128xf32>
    %get3A_59 = arith.constant 0 : index
    %get3A_60 = arith.constant 0 : index
    %get3A_61 = arith.constant 512 : index
    %get3A_62 = vector.load %arg2[%get3A_59, %get3A_60, %get3A_61] : memref<1x2x4096xf32, #tpu.memory_space<vmem>>, vector<1x1x512xf32>
    %get3A_63 = vector.shape_cast %get3A_62 : vector<1x1x512xf32> to vector<1x512xf32>
    %get3A_64 = arith.constant 0 : index
    %get3A_65 = arith.constant 1 : index
    %get3A_66 = arith.constant 512 : index
    %get3A_67 = vector.load %arg2[%get3A_64, %get3A_65, %get3A_66] : memref<1x2x4096xf32, #tpu.memory_space<vmem>>, vector<1x1x512xf32>
    %get3A_68 = vector.shape_cast %get3A_67 : vector<1x1x512xf32> to vector<1x512xf32>
    %broadcast_in_dim3A_69 = vector.shape_cast %mul3A_8 : vector<128x1xf32> to vector<128x1xf32>
    %broadcast_in_dim3A_70 = vector.broadcast %broadcast_in_dim3A_69 : vector<128x1xf32> to vector<128x512xf32>
    %broadcast_in_dim3A_71 = vector.shape_cast %get3A_63 : vector<1x512xf32> to vector<1x512xf32>
    %broadcast_in_dim3A_72 = vector.broadcast %broadcast_in_dim3A_71 : vector<1x512xf32> to vector<128x512xf32>
    %sub3A_73 = arith.subf %broadcast_in_dim3A_70, %broadcast_in_dim3A_72 : vector<128x512xf32>
    %broadcast_in_dim3A_74 = vector.shape_cast %mul3A_12 : vector<128x1xf32> to vector<128x1xf32>
    %broadcast_in_dim3A_75 = vector.broadcast %broadcast_in_dim3A_74 : vector<128x1xf32> to vector<128x512xf32>
    %broadcast_in_dim3A_76 = vector.shape_cast %get3A_68 : vector<1x512xf32> to vector<1x512xf32>
    %broadcast_in_dim3A_77 = vector.broadcast %broadcast_in_dim3A_76 : vector<1x512xf32> to vector<128x512xf32>
    %sub3A_78 = arith.subf %broadcast_in_dim3A_75, %broadcast_in_dim3A_77 : vector<128x512xf32>
    %mul3A_79 = arith.mulf %sub3A_73, %sub3A_73 : vector<128x512xf32>
    %mul3A_80 = arith.mulf %sub3A_78, %sub3A_78 : vector<128x512xf32>
    %add3A_81 = arith.addf %mul3A_79, %mul3A_80 : vector<128x512xf32>
    %broadcast_in_dim3A_82 = vector.shape_cast %mul3A_20 : vector<128x1xf32> to vector<128x1xf32>
    %broadcast_in_dim3A_83 = vector.broadcast %broadcast_in_dim3A_82 : vector<128x1xf32> to vector<128x512xf32>
    %sub3A_84 = arith.subf %mul3A_79, %broadcast_in_dim3A_83 : vector<128x512xf32>
    %broadcast_in_dim3A_85 = vector.shape_cast %mul3A_21 : vector<128x1xf32> to vector<128x1xf32>
    %broadcast_in_dim3A_86 = vector.broadcast %broadcast_in_dim3A_85 : vector<128x1xf32> to vector<128x512xf32>
    %sub3A_87 = arith.subf %mul3A_80, %broadcast_in_dim3A_86 : vector<128x512xf32>
    %max3A_88 = arith.maximumf %sub3A_84, %sub3A_87 : vector<128x512xf32>
    %reduce_min3A_89 = arith.constant dense<0x7F800000> : vector<512xf32>
    %reduce_min3A_90 = vector.multi_reduction <minimumf>, %add3A_81, %reduce_min3A_89 [0] : vector<128x512xf32> to vector<512xf32>
    %broadcast_in_dim3A_91 = vector.shape_cast %reduce_min3A_90 : vector<512xf32> to vector<1x512xf32>
    %eq3A_92 = vector.broadcast %broadcast_in_dim3A_91 : vector<1x512xf32> to vector<128x512xf32>
    %eq3A_93 = arith.cmpf oeq, %add3A_81, %eq3A_92 : vector<128x512xf32>
    %jit3A_94 = arith.constant 1073741824 : i32
    %broadcast_in_dim3A_95 = vector.broadcast %jit3A_94 : i32 to vector<128x512xi32>
    %select_n3A_96 = arith.select %eq3A_93, %iota3A, %broadcast_in_dim3A_95 : vector<128x512xi1>, vector<128x512xi32>
    %reduce_min3A_97 = arith.constant dense<2147483647> : vector<512xi32>
    %reduce_min3A_98 = vector.multi_reduction <minsi>, %select_n3A_96, %reduce_min3A_97 [0] : vector<128x512xi32> to vector<512xi32>
    %reduce_min3A_99 = arith.constant dense<0x7F800000> : vector<512xf32>
    %reduce_min3A_100 = vector.multi_reduction <minimumf>, %max3A_88, %reduce_min3A_99 [0] : vector<128x512xf32> to vector<512xf32>
    %reshape3A_101 = vector.shape_cast %reduce_min3A_98 : vector<512xi32> to vector<4x128xi32>
    %reshape3A_102 = vector.shape_cast %reduce_min3A_100 : vector<512xf32> to vector<4x128xf32>
    %get3A_103 = arith.constant 0 : index
    %get3A_104 = arith.constant 0 : index
    %get3A_105 = arith.constant 1024 : index
    %get3A_106 = vector.load %arg2[%get3A_103, %get3A_104, %get3A_105] : memref<1x2x4096xf32, #tpu.memory_space<vmem>>, vector<1x1x512xf32>
    %get3A_107 = vector.shape_cast %get3A_106 : vector<1x1x512xf32> to vector<1x512xf32>
    %get3A_108 = arith.constant 0 : index
    %get3A_109 = arith.constant 1 : index
    %get3A_110 = arith.constant 1024 : index
    %get3A_111 = vector.load %arg2[%get3A_108, %get3A_109, %get3A_110] : memref<1x2x4096xf32, #tpu.memory_space<vmem>>, vector<1x1x512xf32>
    %get3A_112 = vector.shape_cast %get3A_111 : vector<1x1x512xf32> to vector<1x512xf32>
    %broadcast_in_dim3A_113 = vector.shape_cast %mul3A_8 : vector<128x1xf32> to vector<128x1xf32>
    %broadcast_in_dim3A_114 = vector.broadcast %broadcast_in_dim3A_113 : vector<128x1xf32> to vector<128x512xf32>
    %broadcast_in_dim3A_115 = vector.shape_cast %get3A_107 : vector<1x512xf32> to vector<1x512xf32>
    %broadcast_in_dim3A_116 = vector.broadcast %broadcast_in_dim3A_115 : vector<1x512xf32> to vector<128x512xf32>
    %sub3A_117 = arith.subf %broadcast_in_dim3A_114, %broadcast_in_dim3A_116 : vector<128x512xf32>
    %broadcast_in_dim3A_118 = vector.shape_cast %mul3A_12 : vector<128x1xf32> to vector<128x1xf32>
    %broadcast_in_dim3A_119 = vector.broadcast %broadcast_in_dim3A_118 : vector<128x1xf32> to vector<128x512xf32>
    %broadcast_in_dim3A_120 = vector.shape_cast %get3A_112 : vector<1x512xf32> to vector<1x512xf32>
    %broadcast_in_dim3A_121 = vector.broadcast %broadcast_in_dim3A_120 : vector<1x512xf32> to vector<128x512xf32>
    %sub3A_122 = arith.subf %broadcast_in_dim3A_119, %broadcast_in_dim3A_121 : vector<128x512xf32>
    %mul3A_123 = arith.mulf %sub3A_117, %sub3A_117 : vector<128x512xf32>
    %mul3A_124 = arith.mulf %sub3A_122, %sub3A_122 : vector<128x512xf32>
    %add3A_125 = arith.addf %mul3A_123, %mul3A_124 : vector<128x512xf32>
    %broadcast_in_dim3A_126 = vector.shape_cast %mul3A_20 : vector<128x1xf32> to vector<128x1xf32>
    %broadcast_in_dim3A_127 = vector.broadcast %broadcast_in_dim3A_126 : vector<128x1xf32> to vector<128x512xf32>
    %sub3A_128 = arith.subf %mul3A_123, %broadcast_in_dim3A_127 : vector<128x512xf32>
    %broadcast_in_dim3A_129 = vector.shape_cast %mul3A_21 : vector<128x1xf32> to vector<128x1xf32>
    %broadcast_in_dim3A_130 = vector.broadcast %broadcast_in_dim3A_129 : vector<128x1xf32> to vector<128x512xf32>
    %sub3A_131 = arith.subf %mul3A_124, %broadcast_in_dim3A_130 : vector<128x512xf32>
    %max3A_132 = arith.maximumf %sub3A_128, %sub3A_131 : vector<128x512xf32>
    %reduce_min3A_133 = arith.constant dense<0x7F800000> : vector<512xf32>
    %reduce_min3A_134 = vector.multi_reduction <minimumf>, %add3A_125, %reduce_min3A_133 [0] : vector<128x512xf32> to vector<512xf32>
    %broadcast_in_dim3A_135 = vector.shape_cast %reduce_min3A_134 : vector<512xf32> to vector<1x512xf32>
    %eq3A_136 = vector.broadcast %broadcast_in_dim3A_135 : vector<1x512xf32> to vector<128x512xf32>
    %eq3A_137 = arith.cmpf oeq, %add3A_125, %eq3A_136 : vector<128x512xf32>
    %jit3A_138 = arith.constant 1073741824 : i32
    %broadcast_in_dim3A_139 = vector.broadcast %jit3A_138 : i32 to vector<128x512xi32>
    %select_n3A_140 = arith.select %eq3A_137, %iota3A, %broadcast_in_dim3A_139 : vector<128x512xi1>, vector<128x512xi32>
    %reduce_min3A_141 = arith.constant dense<2147483647> : vector<512xi32>
    %reduce_min3A_142 = vector.multi_reduction <minsi>, %select_n3A_140, %reduce_min3A_141 [0] : vector<128x512xi32> to vector<512xi32>
    %reduce_min3A_143 = arith.constant dense<0x7F800000> : vector<512xf32>
    %reduce_min3A_144 = vector.multi_reduction <minimumf>, %max3A_132, %reduce_min3A_143 [0] : vector<128x512xf32> to vector<512xf32>
    %reshape3A_145 = vector.shape_cast %reduce_min3A_142 : vector<512xi32> to vector<4x128xi32>
    %reshape3A_146 = vector.shape_cast %reduce_min3A_144 : vector<512xf32> to vector<4x128xf32>
    %get3A_147 = arith.constant 0 : index
    %get3A_148 = arith.constant 0 : index
    %get3A_149 = arith.constant 1536 : index
    %get3A_150 = vector.load %arg2[%get3A_147, %get3A_148, %get3A_149] : memref<1x2x4096xf32, #tpu.memory_space<vmem>>, vector<1x1x512xf32>
    %get3A_151 = vector.shape_cast %get3A_150 : vector<1x1x512xf32> to vector<1x512xf32>
    %get3A_152 = arith.constant 0 : index
    %get3A_153 = arith.constant 1 : index
    %get3A_154 = arith.constant 1536 : index
    %get3A_155 = vector.load %arg2[%get3A_152, %get3A_153, %get3A_154] : memref<1x2x4096xf32, #tpu.memory_space<vmem>>, vector<1x1x512xf32>
    %get3A_156 = vector.shape_cast %get3A_155 : vector<1x1x512xf32> to vector<1x512xf32>
    %broadcast_in_dim3A_157 = vector.shape_cast %mul3A_8 : vector<128x1xf32> to vector<128x1xf32>
    %broadcast_in_dim3A_158 = vector.broadcast %broadcast_in_dim3A_157 : vector<128x1xf32> to vector<128x512xf32>
    %broadcast_in_dim3A_159 = vector.shape_cast %get3A_151 : vector<1x512xf32> to vector<1x512xf32>
    %broadcast_in_dim3A_160 = vector.broadcast %broadcast_in_dim3A_159 : vector<1x512xf32> to vector<128x512xf32>
    %sub3A_161 = arith.subf %broadcast_in_dim3A_158, %broadcast_in_dim3A_160 : vector<128x512xf32>
    %broadcast_in_dim3A_162 = vector.shape_cast %mul3A_12 : vector<128x1xf32> to vector<128x1xf32>
    %broadcast_in_dim3A_163 = vector.broadcast %broadcast_in_dim3A_162 : vector<128x1xf32> to vector<128x512xf32>
    %broadcast_in_dim3A_164 = vector.shape_cast %get3A_156 : vector<1x512xf32> to vector<1x512xf32>
    %broadcast_in_dim3A_165 = vector.broadcast %broadcast_in_dim3A_164 : vector<1x512xf32> to vector<128x512xf32>
    %sub3A_166 = arith.subf %broadcast_in_dim3A_163, %broadcast_in_dim3A_165 : vector<128x512xf32>
    %mul3A_167 = arith.mulf %sub3A_161, %sub3A_161 : vector<128x512xf32>
    %mul3A_168 = arith.mulf %sub3A_166, %sub3A_166 : vector<128x512xf32>
    %add3A_169 = arith.addf %mul3A_167, %mul3A_168 : vector<128x512xf32>
    %broadcast_in_dim3A_170 = vector.shape_cast %mul3A_20 : vector<128x1xf32> to vector<128x1xf32>
    %broadcast_in_dim3A_171 = vector.broadcast %broadcast_in_dim3A_170 : vector<128x1xf32> to vector<128x512xf32>
    %sub3A_172 = arith.subf %mul3A_167, %broadcast_in_dim3A_171 : vector<128x512xf32>
    %broadcast_in_dim3A_173 = vector.shape_cast %mul3A_21 : vector<128x1xf32> to vector<128x1xf32>
    %broadcast_in_dim3A_174 = vector.broadcast %broadcast_in_dim3A_173 : vector<128x1xf32> to vector<128x512xf32>
    %sub3A_175 = arith.subf %mul3A_168, %broadcast_in_dim3A_174 : vector<128x512xf32>
    %max3A_176 = arith.maximumf %sub3A_172, %sub3A_175 : vector<128x512xf32>
    %reduce_min3A_177 = arith.constant dense<0x7F800000> : vector<512xf32>
    %reduce_min3A_178 = vector.multi_reduction <minimumf>, %add3A_169, %reduce_min3A_177 [0] : vector<128x512xf32> to vector<512xf32>
    %broadcast_in_dim3A_179 = vector.shape_cast %reduce_min3A_178 : vector<512xf32> to vector<1x512xf32>
    %eq3A_180 = vector.broadcast %broadcast_in_dim3A_179 : vector<1x512xf32> to vector<128x512xf32>
    %eq3A_181 = arith.cmpf oeq, %add3A_169, %eq3A_180 : vector<128x512xf32>
    %jit3A_182 = arith.constant 1073741824 : i32
    %broadcast_in_dim3A_183 = vector.broadcast %jit3A_182 : i32 to vector<128x512xi32>
    %select_n3A_184 = arith.select %eq3A_181, %iota3A, %broadcast_in_dim3A_183 : vector<128x512xi1>, vector<128x512xi32>
    %reduce_min3A_185 = arith.constant dense<2147483647> : vector<512xi32>
    %reduce_min3A_186 = vector.multi_reduction <minsi>, %select_n3A_184, %reduce_min3A_185 [0] : vector<128x512xi32> to vector<512xi32>
    %reduce_min3A_187 = arith.constant dense<0x7F800000> : vector<512xf32>
    %reduce_min3A_188 = vector.multi_reduction <minimumf>, %max3A_176, %reduce_min3A_187 [0] : vector<128x512xf32> to vector<512xf32>
    %reshape3A_189 = vector.shape_cast %reduce_min3A_186 : vector<512xi32> to vector<4x128xi32>
    %reshape3A_190 = vector.shape_cast %reduce_min3A_188 : vector<512xf32> to vector<4x128xf32>
    %get3A_191 = arith.constant 0 : index
    %get3A_192 = arith.constant 0 : index
    %get3A_193 = arith.constant 2048 : index
    %get3A_194 = vector.load %arg2[%get3A_191, %get3A_192, %get3A_193] : memref<1x2x4096xf32, #tpu.memory_space<vmem>>, vector<1x1x512xf32>
    %get3A_195 = vector.shape_cast %get3A_194 : vector<1x1x512xf32> to vector<1x512xf32>
    %get3A_196 = arith.constant 0 : index
    %get3A_197 = arith.constant 1 : index
    %get3A_198 = arith.constant 2048 : index
    %get3A_199 = vector.load %arg2[%get3A_196, %get3A_197, %get3A_198] : memref<1x2x4096xf32, #tpu.memory_space<vmem>>, vector<1x1x512xf32>
    %get3A_200 = vector.shape_cast %get3A_199 : vector<1x1x512xf32> to vector<1x512xf32>
    %broadcast_in_dim3A_201 = vector.shape_cast %mul3A_8 : vector<128x1xf32> to vector<128x1xf32>
    %broadcast_in_dim3A_202 = vector.broadcast %broadcast_in_dim3A_201 : vector<128x1xf32> to vector<128x512xf32>
    %broadcast_in_dim3A_203 = vector.shape_cast %get3A_195 : vector<1x512xf32> to vector<1x512xf32>
    %broadcast_in_dim3A_204 = vector.broadcast %broadcast_in_dim3A_203 : vector<1x512xf32> to vector<128x512xf32>
    %sub3A_205 = arith.subf %broadcast_in_dim3A_202, %broadcast_in_dim3A_204 : vector<128x512xf32>
    %broadcast_in_dim3A_206 = vector.shape_cast %mul3A_12 : vector<128x1xf32> to vector<128x1xf32>
    %broadcast_in_dim3A_207 = vector.broadcast %broadcast_in_dim3A_206 : vector<128x1xf32> to vector<128x512xf32>
    %broadcast_in_dim3A_208 = vector.shape_cast %get3A_200 : vector<1x512xf32> to vector<1x512xf32>
    %broadcast_in_dim3A_209 = vector.broadcast %broadcast_in_dim3A_208 : vector<1x512xf32> to vector<128x512xf32>
    %sub3A_210 = arith.subf %broadcast_in_dim3A_207, %broadcast_in_dim3A_209 : vector<128x512xf32>
    %mul3A_211 = arith.mulf %sub3A_205, %sub3A_205 : vector<128x512xf32>
    %mul3A_212 = arith.mulf %sub3A_210, %sub3A_210 : vector<128x512xf32>
    %add3A_213 = arith.addf %mul3A_211, %mul3A_212 : vector<128x512xf32>
    %broadcast_in_dim3A_214 = vector.shape_cast %mul3A_20 : vector<128x1xf32> to vector<128x1xf32>
    %broadcast_in_dim3A_215 = vector.broadcast %broadcast_in_dim3A_214 : vector<128x1xf32> to vector<128x512xf32>
    %sub3A_216 = arith.subf %mul3A_211, %broadcast_in_dim3A_215 : vector<128x512xf32>
    %broadcast_in_dim3A_217 = vector.shape_cast %mul3A_21 : vector<128x1xf32> to vector<128x1xf32>
    %broadcast_in_dim3A_218 = vector.broadcast %broadcast_in_dim3A_217 : vector<128x1xf32> to vector<128x512xf32>
    %sub3A_219 = arith.subf %mul3A_212, %broadcast_in_dim3A_218 : vector<128x512xf32>
    %max3A_220 = arith.maximumf %sub3A_216, %sub3A_219 : vector<128x512xf32>
    %reduce_min3A_221 = arith.constant dense<0x7F800000> : vector<512xf32>
    %reduce_min3A_222 = vector.multi_reduction <minimumf>, %add3A_213, %reduce_min3A_221 [0] : vector<128x512xf32> to vector<512xf32>
    %broadcast_in_dim3A_223 = vector.shape_cast %reduce_min3A_222 : vector<512xf32> to vector<1x512xf32>
    %eq3A_224 = vector.broadcast %broadcast_in_dim3A_223 : vector<1x512xf32> to vector<128x512xf32>
    %eq3A_225 = arith.cmpf oeq, %add3A_213, %eq3A_224 : vector<128x512xf32>
    %jit3A_226 = arith.constant 1073741824 : i32
    %broadcast_in_dim3A_227 = vector.broadcast %jit3A_226 : i32 to vector<128x512xi32>
    %select_n3A_228 = arith.select %eq3A_225, %iota3A, %broadcast_in_dim3A_227 : vector<128x512xi1>, vector<128x512xi32>
    %reduce_min3A_229 = arith.constant dense<2147483647> : vector<512xi32>
    %reduce_min3A_230 = vector.multi_reduction <minsi>, %select_n3A_228, %reduce_min3A_229 [0] : vector<128x512xi32> to vector<512xi32>
    %reduce_min3A_231 = arith.constant dense<0x7F800000> : vector<512xf32>
    %reduce_min3A_232 = vector.multi_reduction <minimumf>, %max3A_220, %reduce_min3A_231 [0] : vector<128x512xf32> to vector<512xf32>
    %reshape3A_233 = vector.shape_cast %reduce_min3A_230 : vector<512xi32> to vector<4x128xi32>
    %reshape3A_234 = vector.shape_cast %reduce_min3A_232 : vector<512xf32> to vector<4x128xf32>
    %get3A_235 = arith.constant 0 : index
    %get3A_236 = arith.constant 0 : index
    %get3A_237 = arith.constant 2560 : index
    %get3A_238 = vector.load %arg2[%get3A_235, %get3A_236, %get3A_237] : memref<1x2x4096xf32, #tpu.memory_space<vmem>>, vector<1x1x512xf32>
    %get3A_239 = vector.shape_cast %get3A_238 : vector<1x1x512xf32> to vector<1x512xf32>
    %get3A_240 = arith.constant 0 : index
    %get3A_241 = arith.constant 1 : index
    %get3A_242 = arith.constant 2560 : index
    %get3A_243 = vector.load %arg2[%get3A_240, %get3A_241, %get3A_242] : memref<1x2x4096xf32, #tpu.memory_space<vmem>>, vector<1x1x512xf32>
    %get3A_244 = vector.shape_cast %get3A_243 : vector<1x1x512xf32> to vector<1x512xf32>
    %broadcast_in_dim3A_245 = vector.shape_cast %mul3A_8 : vector<128x1xf32> to vector<128x1xf32>
    %broadcast_in_dim3A_246 = vector.broadcast %broadcast_in_dim3A_245 : vector<128x1xf32> to vector<128x512xf32>
    %broadcast_in_dim3A_247 = vector.shape_cast %get3A_239 : vector<1x512xf32> to vector<1x512xf32>
    %broadcast_in_dim3A_248 = vector.broadcast %broadcast_in_dim3A_247 : vector<1x512xf32> to vector<128x512xf32>
    %sub3A_249 = arith.subf %broadcast_in_dim3A_246, %broadcast_in_dim3A_248 : vector<128x512xf32>
    %broadcast_in_dim3A_250 = vector.shape_cast %mul3A_12 : vector<128x1xf32> to vector<128x1xf32>
    %broadcast_in_dim3A_251 = vector.broadcast %broadcast_in_dim3A_250 : vector<128x1xf32> to vector<128x512xf32>
    %broadcast_in_dim3A_252 = vector.shape_cast %get3A_244 : vector<1x512xf32> to vector<1x512xf32>
    %broadcast_in_dim3A_253 = vector.broadcast %broadcast_in_dim3A_252 : vector<1x512xf32> to vector<128x512xf32>
    %sub3A_254 = arith.subf %broadcast_in_dim3A_251, %broadcast_in_dim3A_253 : vector<128x512xf32>
    %mul3A_255 = arith.mulf %sub3A_249, %sub3A_249 : vector<128x512xf32>
    %mul3A_256 = arith.mulf %sub3A_254, %sub3A_254 : vector<128x512xf32>
    %add3A_257 = arith.addf %mul3A_255, %mul3A_256 : vector<128x512xf32>
    %broadcast_in_dim3A_258 = vector.shape_cast %mul3A_20 : vector<128x1xf32> to vector<128x1xf32>
    %broadcast_in_dim3A_259 = vector.broadcast %broadcast_in_dim3A_258 : vector<128x1xf32> to vector<128x512xf32>
    %sub3A_260 = arith.subf %mul3A_255, %broadcast_in_dim3A_259 : vector<128x512xf32>
    %broadcast_in_dim3A_261 = vector.shape_cast %mul3A_21 : vector<128x1xf32> to vector<128x1xf32>
    %broadcast_in_dim3A_262 = vector.broadcast %broadcast_in_dim3A_261 : vector<128x1xf32> to vector<128x512xf32>
    %sub3A_263 = arith.subf %mul3A_256, %broadcast_in_dim3A_262 : vector<128x512xf32>
    %max3A_264 = arith.maximumf %sub3A_260, %sub3A_263 : vector<128x512xf32>
    %reduce_min3A_265 = arith.constant dense<0x7F800000> : vector<512xf32>
    %reduce_min3A_266 = vector.multi_reduction <minimumf>, %add3A_257, %reduce_min3A_265 [0] : vector<128x512xf32> to vector<512xf32>
    %broadcast_in_dim3A_267 = vector.shape_cast %reduce_min3A_266 : vector<512xf32> to vector<1x512xf32>
    %eq3A_268 = vector.broadcast %broadcast_in_dim3A_267 : vector<1x512xf32> to vector<128x512xf32>
    %eq3A_269 = arith.cmpf oeq, %add3A_257, %eq3A_268 : vector<128x512xf32>
    %jit3A_270 = arith.constant 1073741824 : i32
    %broadcast_in_dim3A_271 = vector.broadcast %jit3A_270 : i32 to vector<128x512xi32>
    %select_n3A_272 = arith.select %eq3A_269, %iota3A, %broadcast_in_dim3A_271 : vector<128x512xi1>, vector<128x512xi32>
    %reduce_min3A_273 = arith.constant dense<2147483647> : vector<512xi32>
    %reduce_min3A_274 = vector.multi_reduction <minsi>, %select_n3A_272, %reduce_min3A_273 [0] : vector<128x512xi32> to vector<512xi32>
    %reduce_min3A_275 = arith.constant dense<0x7F800000> : vector<512xf32>
    %reduce_min3A_276 = vector.multi_reduction <minimumf>, %max3A_264, %reduce_min3A_275 [0] : vector<128x512xf32> to vector<512xf32>
    %reshape3A_277 = vector.shape_cast %reduce_min3A_274 : vector<512xi32> to vector<4x128xi32>
    %reshape3A_278 = vector.shape_cast %reduce_min3A_276 : vector<512xf32> to vector<4x128xf32>
    %get3A_279 = arith.constant 0 : index
    %get3A_280 = arith.constant 0 : index
    %get3A_281 = arith.constant 3072 : index
    %get3A_282 = vector.load %arg2[%get3A_279, %get3A_280, %get3A_281] : memref<1x2x4096xf32, #tpu.memory_space<vmem>>, vector<1x1x512xf32>
    %get3A_283 = vector.shape_cast %get3A_282 : vector<1x1x512xf32> to vector<1x512xf32>
    %get3A_284 = arith.constant 0 : index
    %get3A_285 = arith.constant 1 : index
    %get3A_286 = arith.constant 3072 : index
    %get3A_287 = vector.load %arg2[%get3A_284, %get3A_285, %get3A_286] : memref<1x2x4096xf32, #tpu.memory_space<vmem>>, vector<1x1x512xf32>
    %get3A_288 = vector.shape_cast %get3A_287 : vector<1x1x512xf32> to vector<1x512xf32>
    %broadcast_in_dim3A_289 = vector.shape_cast %mul3A_8 : vector<128x1xf32> to vector<128x1xf32>
    %broadcast_in_dim3A_290 = vector.broadcast %broadcast_in_dim3A_289 : vector<128x1xf32> to vector<128x512xf32>
    %broadcast_in_dim3A_291 = vector.shape_cast %get3A_283 : vector<1x512xf32> to vector<1x512xf32>
    %broadcast_in_dim3A_292 = vector.broadcast %broadcast_in_dim3A_291 : vector<1x512xf32> to vector<128x512xf32>
    %sub3A_293 = arith.subf %broadcast_in_dim3A_290, %broadcast_in_dim3A_292 : vector<128x512xf32>
    %broadcast_in_dim3A_294 = vector.shape_cast %mul3A_12 : vector<128x1xf32> to vector<128x1xf32>
    %broadcast_in_dim3A_295 = vector.broadcast %broadcast_in_dim3A_294 : vector<128x1xf32> to vector<128x512xf32>
    %broadcast_in_dim3A_296 = vector.shape_cast %get3A_288 : vector<1x512xf32> to vector<1x512xf32>
    %broadcast_in_dim3A_297 = vector.broadcast %broadcast_in_dim3A_296 : vector<1x512xf32> to vector<128x512xf32>
    %sub3A_298 = arith.subf %broadcast_in_dim3A_295, %broadcast_in_dim3A_297 : vector<128x512xf32>
    %mul3A_299 = arith.mulf %sub3A_293, %sub3A_293 : vector<128x512xf32>
    %mul3A_300 = arith.mulf %sub3A_298, %sub3A_298 : vector<128x512xf32>
    %add3A_301 = arith.addf %mul3A_299, %mul3A_300 : vector<128x512xf32>
    %broadcast_in_dim3A_302 = vector.shape_cast %mul3A_20 : vector<128x1xf32> to vector<128x1xf32>
    %broadcast_in_dim3A_303 = vector.broadcast %broadcast_in_dim3A_302 : vector<128x1xf32> to vector<128x512xf32>
    %sub3A_304 = arith.subf %mul3A_299, %broadcast_in_dim3A_303 : vector<128x512xf32>
    %broadcast_in_dim3A_305 = vector.shape_cast %mul3A_21 : vector<128x1xf32> to vector<128x1xf32>
    %broadcast_in_dim3A_306 = vector.broadcast %broadcast_in_dim3A_305 : vector<128x1xf32> to vector<128x512xf32>
    %sub3A_307 = arith.subf %mul3A_300, %broadcast_in_dim3A_306 : vector<128x512xf32>
    %max3A_308 = arith.maximumf %sub3A_304, %sub3A_307 : vector<128x512xf32>
    %reduce_min3A_309 = arith.constant dense<0x7F800000> : vector<512xf32>
    %reduce_min3A_310 = vector.multi_reduction <minimumf>, %add3A_301, %reduce_min3A_309 [0] : vector<128x512xf32> to vector<512xf32>
    %broadcast_in_dim3A_311 = vector.shape_cast %reduce_min3A_310 : vector<512xf32> to vector<1x512xf32>
    %eq3A_312 = vector.broadcast %broadcast_in_dim3A_311 : vector<1x512xf32> to vector<128x512xf32>
    %eq3A_313 = arith.cmpf oeq, %add3A_301, %eq3A_312 : vector<128x512xf32>
    %jit3A_314 = arith.constant 1073741824 : i32
    %broadcast_in_dim3A_315 = vector.broadcast %jit3A_314 : i32 to vector<128x512xi32>
    %select_n3A_316 = arith.select %eq3A_313, %iota3A, %broadcast_in_dim3A_315 : vector<128x512xi1>, vector<128x512xi32>
    %reduce_min3A_317 = arith.constant dense<2147483647> : vector<512xi32>
    %reduce_min3A_318 = vector.multi_reduction <minsi>, %select_n3A_316, %reduce_min3A_317 [0] : vector<128x512xi32> to vector<512xi32>
    %reduce_min3A_319 = arith.constant dense<0x7F800000> : vector<512xf32>
    %reduce_min3A_320 = vector.multi_reduction <minimumf>, %max3A_308, %reduce_min3A_319 [0] : vector<128x512xf32> to vector<512xf32>
    %reshape3A_321 = vector.shape_cast %reduce_min3A_318 : vector<512xi32> to vector<4x128xi32>
    %reshape3A_322 = vector.shape_cast %reduce_min3A_320 : vector<512xf32> to vector<4x128xf32>
    %get3A_323 = arith.constant 0 : index
    %get3A_324 = arith.constant 0 : index
    %get3A_325 = arith.constant 3584 : index
    %get3A_326 = vector.load %arg2[%get3A_323, %get3A_324, %get3A_325] : memref<1x2x4096xf32, #tpu.memory_space<vmem>>, vector<1x1x512xf32>
    %get3A_327 = vector.shape_cast %get3A_326 : vector<1x1x512xf32> to vector<1x512xf32>
    %get3A_328 = arith.constant 0 : index
    %get3A_329 = arith.constant 1 : index
    %get3A_330 = arith.constant 3584 : index
    %get3A_331 = vector.load %arg2[%get3A_328, %get3A_329, %get3A_330] : memref<1x2x4096xf32, #tpu.memory_space<vmem>>, vector<1x1x512xf32>
    %get3A_332 = vector.shape_cast %get3A_331 : vector<1x1x512xf32> to vector<1x512xf32>
    %broadcast_in_dim3A_333 = vector.shape_cast %mul3A_8 : vector<128x1xf32> to vector<128x1xf32>
    %broadcast_in_dim3A_334 = vector.broadcast %broadcast_in_dim3A_333 : vector<128x1xf32> to vector<128x512xf32>
    %broadcast_in_dim3A_335 = vector.shape_cast %get3A_327 : vector<1x512xf32> to vector<1x512xf32>
    %broadcast_in_dim3A_336 = vector.broadcast %broadcast_in_dim3A_335 : vector<1x512xf32> to vector<128x512xf32>
    %sub3A_337 = arith.subf %broadcast_in_dim3A_334, %broadcast_in_dim3A_336 : vector<128x512xf32>
    %broadcast_in_dim3A_338 = vector.shape_cast %mul3A_12 : vector<128x1xf32> to vector<128x1xf32>
    %broadcast_in_dim3A_339 = vector.broadcast %broadcast_in_dim3A_338 : vector<128x1xf32> to vector<128x512xf32>
    %broadcast_in_dim3A_340 = vector.shape_cast %get3A_332 : vector<1x512xf32> to vector<1x512xf32>
    %broadcast_in_dim3A_341 = vector.broadcast %broadcast_in_dim3A_340 : vector<1x512xf32> to vector<128x512xf32>
    %sub3A_342 = arith.subf %broadcast_in_dim3A_339, %broadcast_in_dim3A_341 : vector<128x512xf32>
    %mul3A_343 = arith.mulf %sub3A_337, %sub3A_337 : vector<128x512xf32>
    %mul3A_344 = arith.mulf %sub3A_342, %sub3A_342 : vector<128x512xf32>
    %add3A_345 = arith.addf %mul3A_343, %mul3A_344 : vector<128x512xf32>
    %broadcast_in_dim3A_346 = vector.shape_cast %mul3A_20 : vector<128x1xf32> to vector<128x1xf32>
    %broadcast_in_dim3A_347 = vector.broadcast %broadcast_in_dim3A_346 : vector<128x1xf32> to vector<128x512xf32>
    %sub3A_348 = arith.subf %mul3A_343, %broadcast_in_dim3A_347 : vector<128x512xf32>
    %broadcast_in_dim3A_349 = vector.shape_cast %mul3A_21 : vector<128x1xf32> to vector<128x1xf32>
    %broadcast_in_dim3A_350 = vector.broadcast %broadcast_in_dim3A_349 : vector<128x1xf32> to vector<128x512xf32>
    %sub3A_351 = arith.subf %mul3A_344, %broadcast_in_dim3A_350 : vector<128x512xf32>
    %max3A_352 = arith.maximumf %sub3A_348, %sub3A_351 : vector<128x512xf32>
    %reduce_min3A_353 = arith.constant dense<0x7F800000> : vector<512xf32>
    %reduce_min3A_354 = vector.multi_reduction <minimumf>, %add3A_345, %reduce_min3A_353 [0] : vector<128x512xf32> to vector<512xf32>
    %broadcast_in_dim3A_355 = vector.shape_cast %reduce_min3A_354 : vector<512xf32> to vector<1x512xf32>
    %eq3A_356 = vector.broadcast %broadcast_in_dim3A_355 : vector<1x512xf32> to vector<128x512xf32>
    %eq3A_357 = arith.cmpf oeq, %add3A_345, %eq3A_356 : vector<128x512xf32>
    %jit3A_358 = arith.constant 1073741824 : i32
    %broadcast_in_dim3A_359 = vector.broadcast %jit3A_358 : i32 to vector<128x512xi32>
    %select_n3A_360 = arith.select %eq3A_357, %iota3A, %broadcast_in_dim3A_359 : vector<128x512xi1>, vector<128x512xi32>
    %reduce_min3A_361 = arith.constant dense<2147483647> : vector<512xi32>
    %reduce_min3A_362 = vector.multi_reduction <minsi>, %select_n3A_360, %reduce_min3A_361 [0] : vector<128x512xi32> to vector<512xi32>
    %reduce_min3A_363 = arith.constant dense<0x7F800000> : vector<512xf32>
    %reduce_min3A_364 = vector.multi_reduction <minimumf>, %max3A_352, %reduce_min3A_363 [0] : vector<128x512xf32> to vector<512xf32>
    %reshape3A_365 = vector.shape_cast %reduce_min3A_362 : vector<512xi32> to vector<4x128xi32>
    %reshape3A_366 = vector.shape_cast %reduce_min3A_364 : vector<512xf32> to vector<4x128xf32>
    %concatenate3A = tpu.concatenate %reshape3A, %reshape3A_101, %reshape3A_145, %reshape3A_189, %reshape3A_233, %reshape3A_277, %reshape3A_321, %reshape3A_365 in 0 : vector<4x128xi32>, vector<4x128xi32>, vector<4x128xi32>, vector<4x128xi32>, vector<4x128xi32>, vector<4x128xi32>, vector<4x128xi32>, vector<4x128xi32> -> vector<32x128xi32>
    %swap3A = arith.constant 0 : index
    %swap3A_367 = arith.constant 0 : index
    %swap3A_368 = vector.load %arg3[%swap3A, %swap3A_367] : memref<32x128xi32, #tpu.memory_space<vmem>>, vector<32x128xi32>
    tpu.vector_store %arg3[%swap3A, %swap3A_367], %concatenate3A {strides = array<i32>} : memref<32x128xi32, #tpu.memory_space<vmem>>, vector<32x128xi32>,
    %concatenate3A_369 = tpu.concatenate %reshape3A_58, %reshape3A_102, %reshape3A_146, %reshape3A_190, %reshape3A_234, %reshape3A_278, %reshape3A_322, %reshape3A_366 in 0 : vector<4x128xf32>, vector<4x128xf32>, vector<4x128xf32>, vector<4x128xf32>, vector<4x128xf32>, vector<4x128xf32>, vector<4x128xf32>, vector<4x128xf32> -> vector<32x128xf32>
    %swap3A_370 = arith.constant 0 : index
    %swap3A_371 = arith.constant 0 : index
    %swap3A_372 = vector.load %arg4[%swap3A_370, %swap3A_371] : memref<32x128xf32, #tpu.memory_space<vmem>>, vector<32x128xf32>
    tpu.vector_store %arg4[%swap3A_370, %swap3A_371], %concatenate3A_369 {strides = array<i32>} : memref<32x128xf32, #tpu.memory_space<vmem>>, vector<32x128xf32>,
    return
  }
  func.func @transform_0(%arg0: i32) -> (i32, i32, i32) {
    %c0_i32 = arith.constant 0 : i32
    %c0_i32_0 = arith.constant 0 : i32
    %c0_i32_1 = arith.constant 0 : i32
    return %arg0, %c0_i32, %c0_i32_0 : i32, i32, i32
  }
  func.func @transform_1(%arg0: i32) -> (i32, i32, i32) {
    %c0_i32 = arith.constant 0 : i32
    %c0_i32_0 = arith.constant 0 : i32
    %c0_i32_1 = arith.constant 0 : i32
    return %arg0, %c0_i32, %c0_i32_0 : i32, i32, i32
  }
  func.func @transform_2(%arg0: i32) -> (i32, i32) {
    %c0_i32 = arith.constant 0 : i32
    %c0_i32_0 = arith.constant 0 : i32
    return %arg0, %c0_i32 : i32, i32
  }
  func.func @transform_3(%arg0: i32) -> (i32, i32) {
    %c0_i32 = arith.constant 0 : i32
    %c0_i32_0 = arith.constant 0 : i32
    return %arg0, %c0_i32 : i32, i32
  }
}

</mosaic_0001>

<sc_bundles>
// kernel: _vote_fusion.4.cloned.1.call-start
scs
__scs_entry_jumppad:
0x0: {  	(pc) =	sbr.rel $0x88, $3  }
0x1: {  	(tag) =	ssettag $0x0;
	lr =	simm.s32 $0x1  }
0x2: {  	[smem:$0x3F9C] =	sst lr;
	_ =	strace $0xD0000000  }
0x3: {  	_ = 	snop  }
0x4: {  	_ = 	snop  }
0x5: {  	_ = 	snop  }
0x6: {  	_ = 	snop  }
0x7: {  	_ = 	snop  }
__scs_overlays_trampoline_lowered:
0x8: {  	[smem:$0x3FAB] =	sst s0  }
0x9: {  	[smem:$0x3FAC] =	sst s1  }
0xa: {  	[smem:$0x3FAD] =	sst s2  }
0xb: {  	[smem:$0x3FAE] =	sst s3  }
0xc: {  	[smem:$0x3FAF] =	sst s4  }
0xd: {  	[smem:$0x3FB0] =	sst s5  }
0xe: {  	[smem:$0x3FB1] =	sst s6  }
0xf: {  	[smem:$0x3FB2] =	sst s7  }
0x10: {  	[smem:$0x3FB3] =	sst s8  }
0x11: {  	[smem:$0x3FB4] =	sst s9;
	s0 =	simm.s32 @!p0 $0x0  }
0x12: {  	s1 =	sld [smem:$0x3F9A];
	s0 =	simm.s32 @p0 $0x1  }
0x13: {  	[smem:$0x3FB5] =	sst s0;
	s0 =	simm.s32 @!p1 $0x0  }
0x14: {  	s2 =	sld [smem:$0x3F99];
	s0 =	simm.s32 @p1 $0x1  }
0x15: {  	[smem:$0x3FB6] =	sst s0;
	s0 =	simm.s32 @!p2 $0x0  }
0x16: {  	s3 =	sld [smem:$0x3FDB];
	s0 =	simm.s32 @p2 $0x1  }
0x17: {  	s4 =	simm.s32 $0x1BF5;
	[smem:$0x3FB8] =	sst s0  }
0x18: {  	s0 =	sld [smem:$0x3F9B];
	_ =	swait.ge [sflag:s4], $0x0  }
0x19: {  	s7 =	sld [smem:$0x3F9C]  }
0x1a: {  	s8 =	sadd.s32 $0xFFFFE003, lr  }
0x1b: {  	s9 =	sadd.s32 $0xFFFFFEF7, lr;
	s5 =	simm.s32 $0xFFFFFFFF;
	p2 =	slt.u32 s8, $0xFFFFF086  }
0x1c: {  	p1 =	slt.u32 s9, $0xF7A;
	s5 =	simm.s32 @!p2 $0x0  }
0x1d: {  	s5 =	simm.s32 @p1 $0x1;
	p0 =	seq.s32 s7, s2  }
0x1e: {  	s7 =	smul.u32 @!p0 $0xF7A, s2;
	p2 =	seq.s32 @!p0 s5, $0x0  }
0x1f: {  	s9 =	smul.u32 $0xF7A, s1;
	s8 =	simm.s32 @!p0 $0x1BF5;
	p2 =	por !p2, p0  }
0x20: {  	[sflag:s8] =	ssyncset.s32 @!p0 $0xFFFFF086;
	s6 =	sadd.s32 @!p0 s3, s7;
	s7 =	simm.s32 @!p0 $0x108  }
0x21: {  	s3 =	sadd.s32 s3, s9;
	s6 =	sadd.s32 @!p0 $0x88, s6;
	s7 =	simm.s32 @p2 $0x1082  }
0x22: {  	[simem:s7], [sflag:s8] =	dma.local @!p0 [hbm:s6], $0xF7A  }
0x23: {  	s9 =	sor.u32 $0xD0000000, s2;
	s6 =	simm.s32 $0x108;
	_ =	swait.ge @!p0 [sflag:s8], $0x0  }
0x24: {  	s3 =	sadd.s32 $0x88, s3;
	s6 =	simm.s32 @!p1 $0x1082;
	[sflag:s4] =	ssyncset.s32 $0xFFFFF086  }
0x25: {  	[simem:s6], [sflag:s4] =	dma.local [hbm:s3], $0xF7A  }
0x26: {  	[smem:$0x3F9C] =	sst s1;
	(tag) =	ssettag s2;
	_ =	strace s9  }
0x27: {  	s1 =	sld [smem:$0x3FAC]  }
0x28: {  	s2 =	sld [smem:$0x3FAD]  }
0x29: {  	s4 =	sld [smem:$0x3FAF]  }
0x2a: {  	p0 =	seq.s32 s5, $0x0;
	s5 =	sld [smem:$0x3FB0]  }
0x2b: {  	s6 =	sld [smem:$0x3FB1]  }
0x2c: {  	s7 =	sld [smem:$0x3FB2]  }
0x2d: {  	s3 =	simm.s32 $0x108;
	s8 =	sld [smem:$0x3FB3]  }
0x2e: {  	s3 =	simm.s32 @!p0 $0x1082;
	s9 =	sld [smem:$0x3FB4]  }
0x2f: {  	lr =	sadd.s32 s0, s3;
	s0 =	sld [smem:$0x3FAB]  }
0x30: {  	s3 =	sld [smem:$0x3FAE]  }
0x31: {  	[smem:$0x3FB7] =	sst s10  }
0x32: {  	s10 =	sld [smem:$0x3FB5];
	_ =	sdelay $0x3  }
0x33: {  	p0 =	seq.s32 s10, $0x1;
	s10 =	sld [smem:$0x3FB7];
	_ =	sdelay $0x3  }
0x34: {  	[smem:$0x3FB7] =	sst s10  }
0x35: {  	s10 =	sld [smem:$0x3FB6];
	_ =	sdelay $0x3  }
0x36: {  	p1 =	seq.s32 s10, $0x1;
	s10 =	sld [smem:$0x3FB7];
	_ =	sdelay $0x3  }
0x37: {  	[smem:$0x3FB7] =	sst s10  }
0x38: {  	s10 =	sld [smem:$0x3FB8]  }
0x39: {  	_ = 	snop;
	(pc) =	sbr.ind lr, $3  }
0x3a: {  	_ = 	snop  }
0x3b: {  	_ = 	snop  }
0x3c: {  	p2 =	seq.s32 s10, $0x1;
	s10 =	sld [smem:$0x3FB7]  }
0x3d: {  	_ =	shalt  }
0x3e: {  	_ =	shalt  }
0x3f: {  	_ =	shalt  }
0x40: {  	_ =	shalt  }
0x41: {  	_ =	shalt  }
0x42: {  	_ =	shalt  }
0x43: {  	_ =	shalt  }
0x44: {  	_ =	shalt  }
0x45: {  	_ =	shalt  }
0x46: {  	_ =	shalt  }
0x47: {  	_ =	shalt  }
0x48: {  	_ =	shalt  }
0x49: {  	_ =	shalt  }
0x4a: {  	_ =	shalt  }
0x4b: {  	_ =	shalt  }
0x4c: {  	_ =	shalt  }
0x4d: {  	_ =	shalt  }
0x4e: {  	_ =	shalt  }
0x4f: {  	_ =	shalt  }
0x50: {  	_ =	shalt  }
0x51: {  	_ =	shalt  }
0x52: {  	_ =	shalt  }
0x53: {  	_ =	shalt  }
0x54: {  	_ =	shalt  }
0x55: {  	_ =	shalt  }
0x56: {  	_ =	shalt  }
0x57: {  	_ =	shalt  }
0x58: {  	_ =	shalt  }
0x59: {  	_ =	shalt  }
0x5a: {  	_ =	shalt  }
0x5b: {  	_ =	shalt  }
0x5c: {  	_ =	shalt  }
0x5d: {  	_ =	shalt  }
0x5e: {  	_ =	shalt  }
0x5f: {  	_ =	shalt  }
0x60: {  	_ =	shalt  }
0x61: {  	_ =	shalt  }
0x62: {  	_ =	shalt  }
0x63: {  	_ =	shalt  }
0x64: {  	_ =	shalt  }
0x65: {  	_ =	shalt  }
0x66: {  	_ =	shalt  }
0x67: {  	_ =	shalt  }
0x68: {  	_ =	shalt  }
0x69: {  	_ =	shalt  }
0x6a: {  	_ =	shalt  }
0x6b: {  	_ =	shalt  }
0x6c: {  	_ =	shalt  }
0x6d: {  	_ =	shalt  }
0x6e: {  	_ =	shalt  }
0x6f: {  	_ =	shalt  }
0x70: {  	_ =	shalt  }
0x71: {  	_ =	shalt  }
0x72: {  	_ =	shalt  }
0x73: {  	_ =	shalt  }
0x74: {  	_ =	shalt  }
0x75: {  	_ =	shalt  }
0x76: {  	_ =	shalt  }
0x77: {  	_ =	shalt  }
0x78: {  	_ =	shalt  }
0x79: {  	_ =	shalt  }
0x7a: {  	_ =	shalt  }
0x7b: {  	_ =	shalt  }
0x7c: {  	_ =	shalt  }
0x7d: {  	_ =	shalt  }
0x7e: {  	_ =	shalt  }
0x7f: {  	_ =	shalt  }
0x80: {  	_ =	shalt  }
0x81: {  	_ =	shalt  }
0x82: {  	_ =	shalt  }
0x83: {  	_ =	shalt  }
0x84: {  	_ =	shalt  }
0x85: {  	_ =	shalt  }
0x86: {  	_ =	shalt  }
0x87: {  	_ =	shalt  }
.Lfunc_end0:
.L_simem_size_0:
called_computation_lowered:
.L_overlay_start_0:
0x88: {  	s2 =	sld [smem:$0x3FD9]  }
0x89: {  	s3 =	sld [smem:$0x3FFE];
	_ =	sdelay $0x1  }
0x8a: {  	s1 =	srdreg.scid  }
0x8b: {  	s0 =	sand.u32 $0x1, s1  }
0x8c: {  	s17 =	sshll.u32 s0, $0xA;
	s2 =	sadd.s32 s3, s2  }
0x8d: {  	s2 =	sadd.s32 s2, s17  }
0x8e: {  	[smem:$0x3FC3] =	sst s2  }
0x8f: {  	_ = 	snop  }
0x90: {  	s2 =	sld [smem:$0x3FD0];
	(tm) =	ssettm $0x1  }
0x91: {  	s18 =	sld [smem:$0x3FFB];
	_ =	sdelay $0x3  }
0x92: {  	_ =	strace s18  }
0x93: {  	s3 =	sld [smem:$0x3FFC];
	_ =	sdelay $0x3  }
0x94: {  	_ =	strace s3  }
0x95: {  	s3 =	sld [smem:$0x3FFD];
	_ =	sdelay $0x3  }
0x96: {  	_ =	strace s3  }
0x97: {  	_ =	strace $0x8FFFFFFF  }
0x98: {  	s19 =	sld [smem:$0x3FDB];
	_ =	sdelay $0x1  }
0x99: {  	s4 =	simm.s32 $_scs_section_size  }
0x9a: {  	s5 =	simm.s32 $_size__tile_overlayer_lowered;
	s6 =	simm.s32 $_tile_overlayer_lowered  }
0x9b: {  	s22 =	simm.s32 $0x1BFF;
	s21 =	sshll.u32 s6, $0x1;
	s3 =	sadd.s32 s4, s19  }
0x9c: {  	s7 =	simm.s32 $0x0;
	s20 =	sshll.u32 s5, $0x1;
	s5 =	sadd.s32 s21, s3  }
0x9d: {  	[timem:s7], [sflag:s22] =	dma.local [hbm:s5], s20  }
0x9e: {  	_ =	swait.ge [sflag:s22], s20  }
0x9f: {  	s4 =	ssub.s32 $0x0, s20;
	[sflag:s22] =	ssyncset.done $0x0  }
0xa0: {  	[sflag:s22] =	ssyncadd.s32 s4;
	_ =	sdelay $0x1  }
0xa1: {  	s23 =	simm.s32 $0x1B8B  }
0xa2: {  	_ =	swait.ge [sflag:s23], $0x1  }
0xa3: {  	[sflag:s23] =	ssyncset.done $0x0  }
0xa4: {  	s25 =	simm.s32 $0x1B8E;
	s24 =	sld [smem:$0x3FFE];
	[sflag:s23] =	ssyncadd.s32 $0xFFFFFFFF  }
0xa5: {  	s26 =	simm.s32 $execute0_lowered;
	[smem:$0x3FD2] =	sst s25  }
0xa6: {  	s5 =	sshll.u32 s26, $0x1;
	_ =	strace $0x80000046;
	[dreg:$0x1] =	wrdreg $0xFFFFFFFF  }
0xa7: {  	s28 =	simm.s32 $_size_execute0_lowered;
	s3 =	sadd.s32 s3, s5;
	[dreg:$0x0] =	wrdreg $0x0  }
0xa8: {  	s5 =	sshll.u32 s28, $0x1;
	[dreg:$0x2] =	wrdreg s3  }
0xa9: {  	[dreg:$0x3] =	wrdreg s5  }
0xaa: {  	[dreg:$0x4] =	wrdreg $0xC0  }
0xab: {  	_ =	task [dreg:s7], $0x5FFFF  }
0xac: {  	[dreg:$0x1] =	wrdreg $0xFFFFFFFF  }
0xad: {  	[dreg:$0x0] =	wrdreg $0x60  }
0xae: {  	[dreg:$0x2] =	wrdreg s24  }
0xaf: {  	[dreg:$0x3] =	wrdreg s2  }
0xb0: {  	[dreg:$0x4] =	wrdreg $0x9  }
0xb1: {  	_ =	task.clear_ibuf [dreg:s7], $0x5FFFF;
	_ =	strace $0x90000046  }
0xb2: {  	s29 =	simm.s32 $0x9;
	_ =	strace $0x80000048  }
0xb3: {  	_ =	swait.ge [sflag:s29], $0x1  }
0xb4: {  	[sflag:s29] =	ssyncadd.s32 $0xFFFFFFFF  }
0xb5: {  	_ =	strace $0x90000048  }
0xb6: {  	_ =	sfence  }
0xb7: {  	s30 =	sld [smem:$0x0];
	_ =	sdelay $0x2  }
0xb8: {  	s31 =	sshll.u32 s1, $0xD;
	s1 =	sshrl.u32 s1, $0x2  }
0xb9: {  	s3 =	sand.u32 $0x4000, s31;
	s1 =	sadd.s32 s1, s30  }
0xba: {  	s0 =	sor.u32 s3, s0;
	s1 =	sshll.u32 s1, $0x11  }
0xbb: {  	s0 =	sor.u32 s1, s0  }
0xbc: {  	s0 =	sadd.s32 $0x8F2B, s0  }
0xbd: {  	[sflag:s0] =	ssyncadd.remote.s32 $0x1  }
0xbe: {  	_ =	sfence.sel $0xFFFF  }
0xbf: {  	[dreg:$0x0] =	wrdreg $0xFFFFFFFF;
	(pc) =	sbr.abs _section_cstart, $3  }
0xc0: {  	[dreg:$0x1] =	wrdreg $0xFFFFFFFF  }
0xc1: {  	_ =	task.clear_ibuf [dreg:s7], $0x2FFFF;
	_ =	strace $0x9FFFFFFF  }
0xc2: {  	(tm) =	ssettm $0x7FFFFFFF  }
0xc3: {  	_ =	shalt  }
tec
execute0_lowered:
.L_overlay_start_1:
0x0: {  	(tag) =	ssettag $0x1  }
0x1: {  	s0 =	rddreg [dreg:$0x0];
	s5 =	stileid.u32  }
0x2: {  	s1 =	rddreg [dreg:$0x1];
	s2 =	srdreg.scid;
	s30 =	simm.s32 $0xA80  }
0x3: {  	s29 =	simm.s32 $0x4;
	s31 =	simm.s32 $0x0;
	s3 =	sshll.u32 s5, $0x1  }
0x4: {  	s4 =	sand.u32 $0x1, s2;
	s2 =	simm.s32 $0x0;
	s10 =	sshrl.u32 s5, $0x3  }
0x5: {  	s3 =	sand.u32 $0xE, s3;
	s21 =	smul.u32 $0x60, s10;
	s6 =	sshll.u32 s10, $0xD  }
0x6: {  	[smem:$0x7FF] =	sst s2;
	s9 =	sshll.u32 s10, $0x1;
	s24 =	smul.u32 $0x3000, s10  }
0x7: {  	s11 =	sshll.u32 s10, $0xC;
	s12 =	sshll.u32 s10, $0x10;
	s16 =	smul.u32 $0xC0000, s10  }
0x8: {  	s20 =	sor.u32 s4, s3;
	_ =	strace $0x80000047;
	s3 =	sadd.s32 $0x1400, s0  }
0x9: {  	s9 =	sadd.s32 s9, s0;
	s4 =	ssub.s32 $0x2, s4;
	s8 =	sshll.u32 s20, $0x8  }
0xa: {  	s7 =	sadd.s32 s21, s0;
	s5 =	sshll.u32 s20, $0xC;
	s23 =	sshrl.u32 s4, $0x1  }
0xb: {  	s28 =	sadd.s32 $0x40000, s16;
	s17 =	sadd.s32 $0x80000, s16;
	s20 =	simm.s32 $0x3  }
0xc: {  	s21 =	simm.s32 $0x300;
	s6 =	sor.u32 s6, s8;
	s11 =	sor.u32 s11, s8  }
0xd: {  	s5 =	sor.u32 s12, s5;
	s15 =	ssub.s32 s4, s23;
	s4 =	sadd.s32 $0xA00, s7  }
0xe: {  	s7 =	sadd.s32 $0x800, s9;
	s12 =	sor.u32 s24, s8;
	s23 =	simm.s32 $0x2  }
0xf: {  	s24 =	simm.s32 $0x80;
	s22 =	sshrl.u32 s6, $0x3;
	s11 =	sshrl.u32 s11, $0x3  }
0x10: {  	s25 =	sshrl.u32 s12, $0x3;
	s13 =	sadd.s32 $0x1000, s12;
	s12 =	sadd.s32 $0x2000, s12  }
0x11: {  	s15 =	smax.u32 s15, $0x1;
	s6 =	sadd.s32 s22, s0;
	s11 =	sadd.s32 s11, s0  }
0x12: {  	s0 =	sadd.s32 s5, s0;
	s10 =	sadd.s32 s1, s25;
	s26 =	sshrl.u32 s13, $0x3  }
0x13: {  	s12 =	sshrl.u32 s12, $0x3;
	s22 =	simm.s32 $0x380;
	s25 =	simm.s32 $0x1180  }
0x14: {  	v3 =	vlaneseq.u32;
	s5 =	sadd.s32 $0xC00, s6;
	s6 =	sadd.s32 $0xE00, s6;
	s8 =	sadd.s32 $0x31400, s11  }
0x15: {  	v3 =	vmul.u32 $0x80, v3;
	s9 =	sadd.s32 $0x31800, s11;
	s11 =	sadd.s32 s1, s26;
	s12 =	sadd.s32 s1, s12  }
0x16: {  	v0 =	vmov s16;
	v1 =	vmov s28;
	v2 =	vmov s17;
	s13 =	sadd.s32 $0x31C00, s0;
	s14 =	sadd.s32 $0x32400, s0;
	s26 =	simm.s32 $0x1  }
.LBB2_1:
0x17: {  	[tilespmem:s2], [sflag:$0x2] =	stream.linear.gather [hbm4b:s4+s2], $0x300, $0x38;
	[tilespmem:$0x9180] =	vst v63  }
0x18: {  	s0 =	simm.s32 $0x400  }
0x19: {  	[tilespmem:s0], [sflag:$0x2] =	stream.linear.gather [hbm4b:s5+s2], $0x100, $0x38;
	[tilespmem:$0x9180] =	vst v63  }
0x1a: {  	s0 =	simm.s32 $0x500  }
0x1b: {  	[tilespmem:s0], [sflag:$0x2] =	stream.linear.gather [hbm4b:s6+s2], $0x100, $0x38;
	[tilespmem:$0x9180] =	vst v63  }
0x1c: {  	s1 =	simm.s32 $0x900  }
0x1d: {  	[tilespmem:s1], [sflag:$0x3] =	stream.linear.gather [hbm4b:s7+s2], $0x10, $0x38;
	[tilespmem:$0x9180] =	vst v63  }
0x1e: {  	s16 =	simm.s32 $0xF80  }
0x1f: {  	[tilespmem:s16], [sflag:$0x3] =	stream.linear.gather [hbm4b:s8+s2], $0x100, $0x38;
	[tilespmem:$0x9180] =	vst v63  }
0x20: {  	s17 =	simm.s32 $0x1080  }
0x21: {  	[tilespmem:s17], [sflag:$0x3] =	stream.linear.gather [hbm4b:s9+s2], $0x100, $0x38;
	[tilespmem:$0x9180] =	vst v63  }
0x22: {  	s18 =	simm.s32 $0x600  }
0x23: {  	[tilespmem:s18], [sflag:$0x3] =	stream.linear.gather [hbm4b:s10+s2], $0x100, $0x38;
	[tilespmem:$0x9180] =	vst v63  }
0x24: {  	s19 =	simm.s32 $0x700  }
0x25: {  	[tilespmem:s19], [sflag:$0x3] =	stream.linear.gather [hbm4b:s11+s2], $0x100, $0x38;
	[tilespmem:$0x9180] =	vst v63  }
0x26: {  	s28 =	simm.s32 $0x800  }
0x27: {  	[tilespmem:s28], [sflag:$0x3] =	stream.linear.gather [hbm4b:s12+s2], $0x100, $0x38;
	[tilespmem:$0x9180] =	vst v63  }
0x28: {  	_ =	swait.ge [sflag:s23], $0x300  }
0x29: {  	[sflag:s23] =	ssyncset.done $0x0  }
0x2a: {  	[sflag:s23] =	ssyncadd.s32 $0xFFFFFD00  }
0x2b: {  	_ =	swait.ge [sflag:s23], $0x100  }
0x2c: {  	[sflag:s23] =	ssyncset.done $0x0  }
0x2d: {  	[sflag:s23] =	ssyncadd.s32 $0xFFFFFF00  }
0x2e: {  	_ =	swait.ge [sflag:s23], $0x100  }
0x2f: {  	[sflag:s23] =	ssyncset.done $0x0  }
0x30: {  	[sflag:s23] =	ssyncadd.s32 $0xFFFFFF00  }
0x31: {  	v4 =	vld [tilespmem:$0x0]  }
0x32: {  	v5 =	vld [tilespmem:$0x80]  }
0x33: {  	v6 =	vld [tilespmem:$0x100]  }
0x34: {  	v7 =	vld [tilespmem:$0x180]  }
0x35: {  	v8 =	vld [tilespmem:$0x10]  }
0x36: {  	v9 =	vld [tilespmem:$0x90]  }
0x37: {  	v10 =	vld [tilespmem:$0x110]  }
0x38: {  	v11 =	vld [tilespmem:$0x190]  }
0x39: {  	v12 =	vld [tilespmem:$0x20]  }
0x3a: {  	v13 =	vld [tilespmem:$0xA0]  }
0x3b: {  	v14 =	vld [tilespmem:$0x120]  }
0x3c: {  	v15 =	vld [tilespmem:$0x1A0]  }
0x3d: {  	v16 =	vld [tilespmem:$0x30]  }
0x3e: {  	v17 =	vld [tilespmem:$0xB0]  }
0x3f: {  	v18 =	vld [tilespmem:$0x130]  }
0x40: {  	v19 =	vld [tilespmem:$0x1B0]  }
0x41: {  	v20 =	vld [tilespmem:$0x40]  }
0x42: {  	v21 =	vld [tilespmem:$0xC0]  }
0x43: {  	v22 =	vld [tilespmem:$0x140]  }
0x44: {  	v23 =	vld [tilespmem:$0x1C0]  }
0x45: {  	v24 =	vld [tilespmem:$0x50]  }
0x46: {  	v49 =	vld [tilespmem:$0x1D0];
	v4 =	vadd.f32 v6, v4  }
0x47: {  	v50 =	vld [tilespmem:$0x60];
	v5 =	vadd.f32 v7, v5  }
0x48: {  	v52 =	vld [tilespmem:$0xE0];
	v8 =	vadd.f32 v10, v8;
	v4 =	vmul.f32 $5.000000000e-01, v4  }
0x49: {  	v54 =	vld [tilespmem:$0x160];
	v9 =	vadd.f32 v11, v9;
	v5 =	vmul.f32 $5.000000000e-01, v5  }
0x4a: {  	v56 =	vld [tilespmem:$0x1E0];
	v51 =	vadd.f32 v14, v12;
	[tilespmem:$0x300] =	vst v4;
	v4 =	vmul.f32 $5.000000000e-01, v8  }
0x4b: {  	v7 =	vld [tilespmem:$0x150];
	v53 =	vadd.f32 v15, v13;
	[tilespmem:$0x380] =	vst v5;
	v5 =	vmul.f32 $5.000000000e-01, v9  }
0x4c: {  	v6 =	vld [tilespmem:$0xD0];
	v55 =	vadd.f32 v18, v16;
	[tilespmem:$0x310] =	vst v4;
	v4 =	vmul.f32 $5.000000000e-01, v51  }
0x4d: {  	v58 =	vld [tilespmem:$0x70];
	v57 =	vadd.f32 v19, v17;
	[tilespmem:$0x390] =	vst v5;
	v5 =	vmul.f32 $5.000000000e-01, v53  }
0x4e: {  	v60 =	vld [tilespmem:$0xF0];
	v59 =	vadd.f32 v22, v20;
	[tilespmem:$0x320] =	vst v4;
	v4 =	vmul.f32 $5.000000000e-01, v55  }
0x4f: {  	v62 =	vld [tilespmem:$0x170];
	v61 =	vadd.f32 v23, v21;
	[tilespmem:$0x3A0] =	vst v5;
	v5 =	vmul.f32 $5.000000000e-01, v57  }
0x50: {  	v63 =	vld [tilespmem:$0x1F0];
	v7 =	vadd.f32 v7, v24;
	[tilespmem:$0x330] =	vst v4;
	v4 =	vmul.f32 $5.000000000e-01, v59  }
0x51: {  	[tilespmem:$0x3B0] =	vst v5;
	v5 =	vadd.f32 v49, v6;
	v6 =	vmul.f32 $5.000000000e-01, v61  }
0x52: {  	v7 =	vmul.f32 $5.000000000e-01, v7;
	[tilespmem:$0x340] =	vst v4;
	v4 =	vadd.f32 v54, v50  }
0x53: {  	[tilespmem:$0x3C0] =	vst v6;
	v6 =	vadd.f32 v56, v52;
	v5 =	vmul.f32 $5.000000000e-01, v5  }
0x54: {  	[tilespmem:$0x350] =	vst v7;
	v7 =	vadd.f32 v62, v58;
	v4 =	vmul.f32 $5.000000000e-01, v4  }
0x55: {  	[tilespmem:$0x3D0] =	vst v5;
	v5 =	vadd.f32 v63, v60;
	v6 =	vmul.f32 $5.000000000e-01, v6  }
0x56: {  	[tilespmem:$0x360] =	vst v4;
	v4 =	vmul.f32 $5.000000000e-01, v7  }
0x57: {  	[tilespmem:$0x3E0] =	vst v6;
	v5 =	vmul.f32 $5.000000000e-01, v5  }
0x58: {  	[tilespmem:$0x370] =	vst v4  }
0x59: {  	[tilespmem:$0x3F0] =	vst v5  }
0x5a: {  	v4 =	vld [tilespmem:s0+$0x0]  }
0x5b: {  	v5 =	vld [tilespmem:s0+$0xFFFFFF00];
	_ =	sdelay $0x3  }
0x5c: {  	v4 =	vtrunc.f32 v4  }
0x5d: {  	v5 =	vtrunc.f32 v5;
	v4 =	vcvt.f32.s32 v4  }
0x5e: {  	v5 =	vcvt.f32.s32 v5  }
0x5f: {  	v4 =	vshll.u32 v4, $0x9  }
0x60: {  	v4 =	vadd.s32 v5, v4  }
0x61: {  	vm0 =	vgt.s32 v4, $0x0  }
0x62: {  	v4 =	vnsel vm0, $0x0, v4  }
0x63: {  	v5 =	vmin.u32 v4, $0x3FFFF  }
0x64: {  	v6 =	vor.u32 v0, v5  }
0x65: {  	s1 =	simm.s32 $0x10;
	s16 =	simm.s32 $0xA80;
	s17 =	sand.u32 $0xF0, s2;
	v4 =	vor.u32 v1, v5;
	v5 =	vor.u32 v2, v5;
	[tilespmem:s30+$0xFFFFFF00] =	vst v6  }
.LBB2_2:
0x66: {  	p0 =	sne.s32 s1, $0xF0;
	[tilespmem:s16+$0x0] =	vst v4;
	s16 =	sadd.s32 $0x10, s16;
	s0 =	sadd.s32 $0x10, s0  }
0x67: {  	[tilespmem:s17+$0xB80] =	vst v5;
	s17 =	smov.u32 s1;
	s1 =	sadd.s32 $0x10, s1  }
0x68: {  	v4 =	vld [tilespmem:s0+$0x0]  }
0x69: {  	v5 =	vld [tilespmem:s0+$0xFFFFFF00];
	_ =	sdelay $0x3  }
0x6a: {  	v4 =	vtrunc.f32 v4  }
0x6b: {  	v5 =	vtrunc.f32 v5;
	v4 =	vcvt.f32.s32 v4  }
0x6c: {  	v5 =	vcvt.f32.s32 v5  }
0x6d: {  	v4 =	vshll.u32 v4, $0x9  }
0x6e: {  	v4 =	vadd.s32 v5, v4  }
.Ltmp0:
0x6f: {  	vm0 =	vgt.s32 v4, $0x0;
	(pc) =	sbr.rel @p0 .LBB2_2-.Ltmp0, $4  }
0x70: {  	v4 =	vnsel vm0, $0x0, v4  }
0x71: {  	v5 =	vmin.u32 v4, $0x3FFFF  }
0x72: {  	v6 =	vor.u32 v0, v5;
	v4 =	vor.u32 v1, v5  }
0x73: {  	s17 =	sand.u32 $0xF0, s17;
	v5 =	vor.u32 v2, v5;
	[tilespmem:s16+$0xFFFFFF00] =	vst v6  }
0x74: {  	[tilespmem:s16+$0x0] =	vst v4  }
0x75: {  	s0 =	simm.s32 $0x980;
	s1 =	simm.s32 $0xC80;
	[tilespmem:s17+$0xB80] =	vst v5  }
0x76: {  	[tilespmem:s1], [sflag:$0x1] =	stream.indirect.gather [hbm4b:s3+s24], $0x1, s0, s24, $0xb8;
	[tilespmem:$0x9180] =	vst v63  }
0x77: {  	s18 =	simm.s32 $0xA00;
	s19 =	simm.s32 $0xD00  }
0x78: {  	[tilespmem:s19], [sflag:$0x1] =	stream.indirect.gather [hbm4b:s3+s24], $0x1, s18, s24, $0xb8;
	[tilespmem:$0x9180] =	vst v63  }
0x79: {  	s28 =	simm.s32 $0xD80  }
0x7a: {  	[tilespmem:s28], [sflag:$0x1] =	stream.indirect.gather [hbm4b:s3+s24], $0x1, s30, s24, $0xb8;
	[tilespmem:$0x9180] =	vst v63  }
0x7b: {  	s16 =	simm.s32 $0xE00;
	s1 =	simm.s32 $0xB00  }
0x7c: {  	[tilespmem:s16], [sflag:$0x1] =	stream.indirect.gather [hbm4b:s3+s24], $0x1, s1, s24, $0xb8;
	[tilespmem:$0x9180] =	vst v63  }
0x7d: {  	s17 =	simm.s32 $0xB80;
	s18 =	simm.s32 $0xE80  }
0x7e: {  	[tilespmem:s18], [sflag:$0x1] =	stream.indirect.gather [hbm4b:s3+s24], $0x1, s17, s24, $0xb8;
	[tilespmem:$0x9180] =	vst v63  }
0x7f: {  	s19 =	simm.s32 $0xC00;
	s28 =	simm.s32 $0xF00  }
0x80: {  	[tilespmem:s28], [sflag:$0x1] =	stream.indirect.gather [hbm4b:s3+s24], $0x1, s19, s24, $0xb8;
	[tilespmem:$0x9180] =	vst v63  }
0x81: {  	_ =	swait.ge [sflag:s20], $0x10  }
0x82: {  	[sflag:s20] =	ssyncset.done $0x0  }
0x83: {  	[sflag:s20] =	ssyncadd.s32 $0xFFFFFFF0  }
0x84: {  	_ =	swait.ge [sflag:s20], $0x100  }
0x85: {  	[sflag:s20] =	ssyncset.done $0x0  }
0x86: {  	[sflag:s20] =	ssyncadd.s32 $0xFFFFFF00  }
0x87: {  	_ =	swait.ge [sflag:s20], $0x100  }
0x88: {  	[sflag:s20] =	ssyncset.done $0x0  }
0x89: {  	[sflag:s20] =	ssyncadd.s32 $0xFFFFFF00  }
0x8a: {  	_ =	swait.ge [sflag:s20], $0x100  }
0x8b: {  	[sflag:s20] =	ssyncset.done $0x0  }
0x8c: {  	[sflag:s20] =	ssyncadd.s32 $0xFFFFFF00  }
0x8d: {  	_ =	swait.ge [sflag:s20], $0x100  }
0x8e: {  	[sflag:s20] =	ssyncset.done $0x0  }
0x8f: {  	[sflag:s20] =	ssyncadd.s32 $0xFFFFFF00  }
0x90: {  	_ =	swait.ge [sflag:s20], $0x100  }
0x91: {  	[sflag:s20] =	ssyncset.done $0x0  }
0x92: {  	[sflag:s20] =	ssyncadd.s32 $0xFFFFFF00  }
0x93: {  	v4 =	vld [tilespmem:$0x900];
	_ =	sdelay $0x4  }
0x94: {  	(erf) = vrcp.f32 v4;
	_ =	sdelay $0x7  }
0x95: {  	s0 =	simm.s32 $0x0;
	s1 =	simm.s32 $0xFFFFFFFE;
	s16 =	simm.s32 $0x510  }
0x96: {  	s17 =	simm.s32 $0xF90;
	s18 =	simm.s32 $0x1090;
	s19 =	simm.s32 $0x710;
	v4 =	vpop (erf)  }
.LBB2_4:
0x97: {  	v5 =	vld [tilespmem:s17+$0xFFFFFFF0];
	_ =	sdelay $0x4  }
0x98: {  	v6 =	vld [tilespmem:s16+$0xFFFFFEF0]  }
0x99: {  	v7 =	vld [tilespmem:s16+$0xFFFFFFF0];
	s28 =	sand.u32 $0xE0, s0  }
0x9a: {  	v8 =	vld [tilespmem:s28+$0x800]  }
0x9b: {  	v9 =	vld.idx.msk [tilespmem:v5+s21+$0x0], $0xffff  }
0x9c: {  	v10 =	vld.idx.msk [tilespmem:v5+s22+$0x0], $0xffff;
	_ =	sdelay $0x2  }
0x9d: {  	v11 =	vld [tilespmem:s19+$0xFFFFFEF0]  }
0x9e: {  	v12 =	vld [tilespmem:s19+$0xFFFFFFF0]  }
0x9f: {  	v51 =	vmul.f32 v8, v4;
	v6 =	vsub.f32 v9, v6;
	v7 =	vsub.f32 v10, v7;
	_ =	sdelay $0x1  }
0xa0: {  	v6 =	vmul.f32 v6, v51;
	v7 =	vmul.f32 v7, v51;
	_ =	sdelay $0x1  }
0xa1: {  	v6 =	vadd.f32 v6, v11;
	v7 =	vadd.f32 v7, v12;
	_ =	sdelay $0x1  }
0xa2: {  	v11 =	vmul.f32 v6, v6;
	v12 =	vmul.f32 v7, v7  }
0xa3: {  	v13 =	vadd.s32 $0x280, v5  }
0xa4: {  	v15 =	vmov s0;
	v54 =	vmul.f32 v8, v8;
	v11 =	vadd.f32 v12, v11  }
0xa5: {  	v15 =	vshll.u32 v15, $0x7  }
0xa6: {  	v15 =	vor.u32 v3, v15;
	v5 =	vadd.s32 $0x200, v5;
	v55 =	vadd.f32 v11, v54  }
0xa7: {  	v52 =	vld [tilespmem:s18+$0xFFFFFFF0];
	v17 =	vor.u32 $0x1, v15;
	v19 =	vor.u32 $0x2, v15  }
0xa8: {  	v20 =	vor.u32 $0x3, v15;
	v53 =	vld.idx.msk [tilespmem:v13+s2+$0x0], $0xffff;
	v12 =	vshra.s32 v55, $0x1;
	v9 =	vmul.f32 $5.000000000e-01, v55  }
0xa9: {  	v58 =	vor.u32 $0x4, v15;
	v22 =	vor.u32 $0x5, v15;
	v12 =	vsub.s32 $0x5F3759DF, v12  }
0xaa: {  	v60 =	vor.u32 $0x6, v15;
	v62 =	vor.u32 $0x7, v15;
	v14 =	vmul.f32 v12, v9  }
0xab: {  	v63 =	vor.u32 $0x8, v15;
	v23 =	vor.u32 $0x9, v15;
	v24 =	vor.u32 $0xD, v15;
	v5 =	vld.idx.msk [tilespmem:v5+s2+$0x0], $0xffff  }
0xac: {  	v26 =	vor.u32 $0xE, v15;
	v27 =	vor.u32 $0xF, v15;
	v14 =	vmul.f32 v12, v14  }
0xad: {  	vm0 =	vlt.f32 v52, $0.0e+00;
	vm1 =	veq.f32 v53, $0.0e+00;
	vm8 =	veq.f32 v53, $1.000000000e+00  }
0xae: {  	vm9 =	veq.f32 v53, $2.000000000e+00;
	vm10 =	veq.f32 v53, $3.000000000e+00;
	v14 =	vsub.f32 $1.500000000e+00, v14  }
0xaf: {  	vm11 =	veq.f32 v53, $4.000000000e+00;
	vm12 =	veq.f32 v53, $5.000000000e+00;
	vm1 =	vmand vm0, vm1  }
0xb0: {  	v56 =	vnsel vm1, $0x0, v5;
	vm1 =	vmand vm0, vm8;
	v12 =	vmul.f32 v12, v14  }
0xb1: {  	vm13 =	veq.f32 v53, $6.000000000e+00;
	v57 =	vnsel vm1, $0x0, v5;
	vm1 =	vmand vm0, vm9;
	[tilespmem:v15+s25+$0x0] =	vst.idx.msk $0xffff, v56  }
0xb2: {  	v16 =	vnsel vm1, $0x0, v5;
	vm1 =	vmand vm0, vm10;
	[tilespmem:v17+s25+$0x0] =	vst.idx.msk $0xffff, v57;
	v9 =	vmul.f32 v12, v9  }
0xb3: {  	vm14 =	veq.f32 v53, $7.000000000e+00;
	v18 =	vnsel vm1, $0x0, v5;
	vm1 =	vmand vm0, vm11;
	[tilespmem:v19+s25+$0x0] =	vst.idx.msk $0xffff, v16  }
0xb4: {  	v21 =	vnsel vm1, $0x0, v5;
	vm1 =	vmand vm0, vm12;
	[tilespmem:v20+s25+$0x0] =	vst.idx.msk $0xffff, v18;
	v9 =	vmul.f32 v9, v12  }
0xb5: {  	vm15 =	veq.f32 v53, $8.000000000e+00;
	v59 =	vnsel vm1, $0x0, v5;
	vm1 =	vmand vm0, vm13;
	[tilespmem:v58+s25+$0x0] =	vst.idx.msk $0xffff, v21  }
0xb6: {  	v61 =	vnsel vm1, $0x0, v5;
	vm1 =	vmand vm0, vm14;
	[tilespmem:v22+s25+$0x0] =	vst.idx.msk $0xffff, v59;
	v9 =	vsub.f32 $1.500000000e+00, v9  }
0xb7: {  	vm4 =	veq.f32 v53, $9.000000000e+00;
	v21 =	vnsel vm1, $0x0, v5;
	vm1 =	vmand vm0, vm15;
	[tilespmem:v60+s25+$0x0] =	vst.idx.msk $0xffff, v61  }
0xb8: {  	v25 =	vnsel vm1, $0x0, v5;
	[tilespmem:v62+s25+$0x0] =	vst.idx.msk $0xffff, v21;
	vm1 =	vmand vm0, vm4;
	v9 =	vmul.f32 v9, v12  }
0xb9: {  	v28 =	vor.u32 $0x10, v15;
	[tilespmem:v63+s25+$0x0] =	vst.idx.msk $0xffff, v25;
	v5 =	vnsel vm1, $0x0, v5  }
0xba: {  	v29 =	vor.u32 $0x11, v15;
	[tilespmem:v23+s25+$0x0] =	vst.idx.msk $0xffff, v5;
	v5 =	vmul.f32 v9, v6;
	v6 =	vnsel vm0, $0x0, v6  }
0xbb: {  	v30 =	vmul.f32 v9, v7;
	[tilespmem:v24+s25+$0x0] =	vst.idx.msk $0xffff, v6;
	v6 =	vnsel vm0, $0x0, v7  }
0xbc: {  	v7 =	vmul.f32 v9, v8;
	[tilespmem:v26+s25+$0x0] =	vst.idx.msk $0xffff, v6;
	v5 =	vnsel vm0, $0x0, v5  }
0xbd: {  	[tilespmem:v27+s25+$0x0] =	vst.idx.msk $0xffff, v5;
	v5 =	vnsel vm0, $0x0, v30  }
0xbe: {  	[tilespmem:v28+s25+$0x0] =	vst.idx.msk $0xffff, v5;
	v5 =	vnsel vm0, $0x0, v7  }
0xbf: {  	[tilespmem:v29+s25+$0x0] =	vst.idx.msk $0xffff, v5  }
0xc0: {  	v5 =	vld [tilespmem:s17+$0x0];
	_ =	sdelay $0x4  }
0xc1: {  	v6 =	vld [tilespmem:s16+$0xFFFFFF00]  }
0xc2: {  	v7 =	vld [tilespmem:s16+$0x0]  }
0xc3: {  	v31 =	vld [tilespmem:s19+$0x100]  }
0xc4: {  	v32 =	vld.idx.msk [tilespmem:v5+s21+$0x0], $0xffff  }
0xc5: {  	v10 =	vld.idx.msk [tilespmem:v5+s22+$0x0], $0xffff;
	_ =	sdelay $0x2  }
0xc6: {  	v11 =	vld [tilespmem:s19+$0xFFFFFF00]  }
0xc7: {  	v12 =	vld [tilespmem:s19+$0x0]  }
0xc8: {  	v34 =	vmul.f32 v31, v4;
	v6 =	vsub.f32 v32, v6;
	v7 =	vsub.f32 v10, v7;
	_ =	sdelay $0x1  }
0xc9: {  	v6 =	vmul.f32 v6, v34;
	v7 =	vmul.f32 v7, v34;
	_ =	sdelay $0x1  }
0xca: {  	v6 =	vadd.f32 v6, v11;
	v7 =	vadd.f32 v7, v12;
	_ =	sdelay $0x1  }
0xcb: {  	v11 =	vmul.f32 v6, v6;
	v12 =	vmul.f32 v7, v7  }
0xcc: {  	s28 =	sadd.s32 $0x10, s0;
	v33 =	vadd.s32 $0x280, v5  }
0xcd: {  	v42 =	vmov s28;
	v37 =	vmul.f32 v31, v31;
	v11 =	vadd.f32 v12, v11  }
0xce: {  	v15 =	vshll.u32 v42, $0x7  }
0xcf: {  	v15 =	vor.u32 v3, v15;
	v5 =	vadd.s32 $0x200, v5;
	v38 =	vadd.f32 v11, v37  }
0xd0: {  	v44 =	vor.u32 $0x1, v15;
	v46 =	vor.u32 $0x2, v15;
	v35 =	vld [tilespmem:s18+$0x0]  }
0xd1: {  	v47 =	vor.u32 $0x3, v15;
	v36 =	vld.idx.msk [tilespmem:v33+s2+$0x0], $0xffff;
	v12 =	vshra.s32 v38, $0x1;
	v9 =	vmul.f32 $5.000000000e-01, v38  }
0xd2: {  	v49 =	vor.u32 $0x4, v15;
	v51 =	vor.u32 $0x5, v15;
	v12 =	vsub.s32 $0x5F3759DF, v12  }
0xd3: {  	v52 =	vor.u32 $0x6, v15;
	v57 =	vor.u32 $0x9, v15;
	v41 =	vmul.f32 v12, v9  }
0xd4: {  	v54 =	vor.u32 $0x7, v15;
	v58 =	vor.u32 $0xD, v15;
	v55 =	vor.u32 $0x8, v15;
	v5 =	vld.idx.msk [tilespmem:v5+s2+$0x0], $0xffff  }
0xd5: {  	v60 =	vor.u32 $0xE, v15;
	v61 =	vor.u32 $0xF, v15;
	v14 =	vmul.f32 v12, v41  }
0xd6: {  	vm5 =	vlt.f32 v35, $0.0e+00;
	vm6 =	veq.f32 v36, $0.0e+00;
	vm7 =	veq.f32 v36, $1.000000000e+00  }
0xd7: {  	vm8 =	veq.f32 v36, $2.000000000e+00;
	vm9 =	veq.f32 v36, $3.000000000e+00;
	v14 =	vsub.f32 $1.500000000e+00, v14  }
0xd8: {  	vm10 =	veq.f32 v36, $4.000000000e+00;
	vm11 =	veq.f32 v36, $5.000000000e+00;
	vm1 =	vmand vm5, vm6  }
0xd9: {  	v39 =	vnsel vm1, $0x0, v5;
	vm1 =	vmand vm5, vm7;
	v12 =	vmul.f32 v12, v14  }
0xda: {  	vm12 =	veq.f32 v36, $6.000000000e+00;
	v40 =	vnsel vm1, $0x0, v5;
	vm1 =	vmand vm5, vm8;
	[tilespmem:v15+s25+$0x0] =	vst.idx.msk $0xffff, v39  }
0xdb: {  	v43 =	vnsel vm1, $0x0, v5;
	vm1 =	vmand vm5, vm9;
	[tilespmem:v44+s25+$0x0] =	vst.idx.msk $0xffff, v40;
	v9 =	vmul.f32 v12, v9  }
0xdc: {  	vm13 =	veq.f32 v36, $7.000000000e+00;
	v45 =	vnsel vm1, $0x0, v5;
	vm1 =	vmand vm5, vm10;
	[tilespmem:v46+s25+$0x0] =	vst.idx.msk $0xffff, v43  }
0xdd: {  	v48 =	vnsel vm1, $0x0, v5;
	vm1 =	vmand vm5, vm11;
	[tilespmem:v47+s25+$0x0] =	vst.idx.msk $0xffff, v45;
	v9 =	vmul.f32 v9, v12  }
0xde: {  	vm14 =	veq.f32 v36, $8.000000000e+00;
	v50 =	vnsel vm1, $0x0, v5;
	vm1 =	vmand vm5, vm12;
	[tilespmem:v49+s25+$0x0] =	vst.idx.msk $0xffff, v48  }
0xdf: {  	v53 =	vnsel vm1, $0x0, v5;
	vm1 =	vmand vm5, vm13;
	[tilespmem:v51+s25+$0x0] =	vst.idx.msk $0xffff, v50;
	v9 =	vsub.f32 $1.500000000e+00, v9  }
0xe0: {  	vm15 =	veq.f32 v36, $9.000000000e+00;
	v56 =	vnsel vm1, $0x0, v5;
	vm1 =	vmand vm5, vm14;
	[tilespmem:v52+s25+$0x0] =	vst.idx.msk $0xffff, v53  }
0xe1: {  	v59 =	vnsel vm1, $0x0, v5;
	[tilespmem:v54+s25+$0x0] =	vst.idx.msk $0xffff, v56;
	vm1 =	vmand vm5, vm15;
	v9 =	vmul.f32 v9, v12  }
0xe2: {  	s1 =	sadd.s32 $0x2, s1;
	v62 =	vor.u32 $0x10, v15;
	[tilespmem:v55+s25+$0x0] =	vst.idx.msk $0xffff, v59;
	v5 =	vnsel vm1, $0x0, v5  }
0xe3: {  	p0 =	slt.u32 s1, $0xE;
	v63 =	vor.u32 $0x11, v15;
	[tilespmem:v57+s25+$0x0] =	vst.idx.msk $0xffff, v5;
	v5 =	vmul.f32 v9, v6;
	v6 =	vnsel vm5, $0x0, v6  }
.Ltmp1:
0xe4: {  	[tilespmem:v58+s25+$0x0] =	vst.idx.msk $0xffff, v6;
	v6 =	vmul.f32 v9, v7;
	v7 =	vnsel vm5, $0x0, v7;
	(pc) =	sbr.rel @p0 .LBB2_4-.Ltmp1, $4  }
0xe5: {  	v8 =	vmul.f32 v9, v31;
	[tilespmem:v60+s25+$0x0] =	vst.idx.msk $0xffff, v7;
	v5 =	vnsel vm5, $0x0, v5  }
0xe6: {  	[tilespmem:v61+s25+$0x0] =	vst.idx.msk $0xffff, v5;
	v5 =	vnsel vm5, $0x0, v6  }
0xe7: {  	s0 =	sadd.s32 $0x20, s0;
	s16 =	sadd.s32 $0x20, s16;
	[tilespmem:v62+s25+$0x0] =	vst.idx.msk $0xffff, v5;
	v5 =	vnsel vm5, $0x0, v8  }
0xe8: {  	s17 =	sadd.s32 $0x20, s17;
	s18 =	sadd.s32 $0x20, s18;
	s19 =	sadd.s32 $0x20, s19;
	[tilespmem:v63+s25+$0x0] =	vst.idx.msk $0xffff, v5  }
0xe9: {  	_ =	swait.ge [sflag:s26], $0x80  }
0xea: {  	[sflag:s26] =	ssyncset.done $0x0  }
0xeb: {  	[sflag:s26] =	ssyncadd.s32 $0xFFFFFF80  }
0xec: {  	_ =	swait.ge [sflag:s26], $0x80  }
0xed: {  	[sflag:s26] =	ssyncset.done $0x0  }
0xee: {  	[sflag:s26] =	ssyncadd.s32 $0xFFFFFF80  }
0xef: {  	_ =	swait.ge [sflag:s26], $0x80  }
0xf0: {  	[sflag:s26] =	ssyncset.done $0x0  }
0xf1: {  	[sflag:s26] =	ssyncadd.s32 $0xFFFFFF80  }
0xf2: {  	_ =	swait.ge [sflag:s26], $0x80  }
0xf3: {  	[sflag:s26] =	ssyncset.done $0x0  }
0xf4: {  	[sflag:s26] =	ssyncadd.s32 $0xFFFFFF80  }
0xf5: {  	_ =	swait.ge [sflag:s26], $0x80  }
0xf6: {  	[sflag:s26] =	ssyncset.done $0x0  }
0xf7: {  	[sflag:s26] =	ssyncadd.s32 $0xFFFFFF80  }
0xf8: {  	_ =	swait.ge [sflag:s26], $0x80  }
0xf9: {  	s1 =	simm.s32 $0x0;
	[sflag:s26] =	ssyncset.done $0x0  }
0xfa: {  	s0 =	simm.s32 $0x1090;
	v4 =	vmov s1;
	[sflag:s26] =	ssyncadd.s32 $0xFFFFFF80  }
0xfb: {  	s1 =	simm.s32 $0xD90;
	v4 =	vshll.u32 v4, $0x7;
	v5 =	vld [tilespmem:s0+$0xFFFFFFF0]  }
0xfc: {  	v4 =	vor.u32 v3, v4;
	v6 =	vld [tilespmem:s1+$0xFFFFFEF0]  }
0xfd: {  	v7 =	vor.u32 $0xA, v4;
	_ =	sdelay $0x2  }
0xfe: {  	vm0 =	vlt.f32 v5, $0.0e+00  }
0xff: {  	v5 =	vnsel vm0, $0x0, v6  }
0x100: {  	[tilespmem:v7+s25+$0x0] =	vst.idx.msk $0xffff, v5  }
0x101: {  	v5 =	vld [tilespmem:s1+$0xFFFFFFF0]  }
0x102: {  	v6 =	vor.u32 $0xB, v4;
	_ =	sdelay $0x3  }
0x103: {  	v5 =	vnsel vm0, $0x0, v5  }
0x104: {  	[tilespmem:v6+s25+$0x0] =	vst.idx.msk $0xffff, v5  }
0x105: {  	v5 =	vld [tilespmem:s1+$0xF0]  }
0x106: {  	v4 =	vor.u32 $0xC, v4;
	_ =	sdelay $0x3  }
0x107: {  	s16 =	simm.s32 $0x10;
	v5 =	vnsel vm0, $0x0, v5  }
0x108: {  	[tilespmem:v4+s25+$0x0] =	vst.idx.msk $0xffff, v5;
	v4 =	vmov s16  }
0x109: {  	v5 =	vld [tilespmem:s0+$0x0];
	v4 =	vshll.u32 v4, $0x7  }
0x10a: {  	v6 =	vld [tilespmem:s1+$0xFFFFFF00];
	v4 =	vor.u32 v3, v4  }
0x10b: {  	v7 =	vor.u32 $0xA, v4;
	_ =	sdelay $0x2  }
0x10c: {  	vm15 =	vlt.f32 v5, $0.0e+00  }
0x10d: {  	v5 =	vnsel vm15, $0x0, v6  }
0x10e: {  	[tilespmem:v7+s25+$0x0] =	vst.idx.msk $0xffff, v5  }
0x10f: {  	v5 =	vld [tilespmem:s1+$0x0]  }
0x110: {  	v6 =	vor.u32 $0xB, v4;
	_ =	sdelay $0x3  }
0x111: {  	v5 =	vnsel vm15, $0x0, v5  }
0x112: {  	[tilespmem:v6+s25+$0x0] =	vst.idx.msk $0xffff, v5  }
0x113: {  	v5 =	vld [tilespmem:s1+$0x100]  }
0x114: {  	v4 =	vor.u32 $0xC, v4;
	_ =	sdelay $0x3  }
0x115: {  	s17 =	simm.s32 $0x2;
	s16 =	simm.s32 $0x20;
	v5 =	vnsel vm15, $0x0, v5  }
.LBB2_6:
0x116: {  	s17 =	sadd.s32 $0x2, s17;
	v6 =	vmov s16;
	[tilespmem:v4+s25+$0x0] =	vst.idx.msk $0xffff, v5;
	s1 =	sadd.s32 $0x20, s1;
	s0 =	sadd.s32 $0x20, s0  }
0x117: {  	p0 =	slt.u32 s17, $0x6;
	v4 =	vld [tilespmem:s0+$0xFFFFFFF0];
	v5 =	vshll.u32 v6, $0x7  }
0x118: {  	v6 =	vld [tilespmem:s1+$0xFFFFFEF0];
	v5 =	vor.u32 v3, v5  }
0x119: {  	v7 =	vor.u32 $0xA, v5;
	_ =	sdelay $0x2  }
0x11a: {  	vm0 =	vlt.f32 v4, $0.0e+00  }
0x11b: {  	v4 =	vnsel vm0, $0x0, v6  }
0x11c: {  	[tilespmem:v7+s25+$0x0] =	vst.idx.msk $0xffff, v4  }
0x11d: {  	v4 =	vld [tilespmem:s1+$0xFFFFFFF0]  }
0x11e: {  	v6 =	vor.u32 $0xB, v5;
	_ =	sdelay $0x3  }
0x11f: {  	v4 =	vnsel vm0, $0x0, v4  }
0x120: {  	[tilespmem:v6+s25+$0x0] =	vst.idx.msk $0xffff, v4  }
0x121: {  	v4 =	vld [tilespmem:s1+$0xF0]  }
0x122: {  	v5 =	vor.u32 $0xC, v5;
	_ =	sdelay $0x3  }
0x123: {  	s18 =	sadd.s32 $0x10, s16;
	v4 =	vnsel vm0, $0x0, v4  }
0x124: {  	[tilespmem:v5+s25+$0x0] =	vst.idx.msk $0xffff, v4;
	v4 =	vmov s18  }
0x125: {  	v5 =	vld [tilespmem:s0+$0x0];
	v4 =	vshll.u32 v4, $0x7  }
0x126: {  	v6 =	vld [tilespmem:s1+$0xFFFFFF00];
	v4 =	vor.u32 v3, v4  }
0x127: {  	v7 =	vor.u32 $0xA, v4;
	_ =	sdelay $0x2  }
0x128: {  	vm0 =	vlt.f32 v5, $0.0e+00  }
0x129: {  	v5 =	vnsel vm0, $0x0, v6  }
0x12a: {  	[tilespmem:v7+s25+$0x0] =	vst.idx.msk $0xffff, v5  }
0x12b: {  	v5 =	vld [tilespmem:s1+$0x0]  }
0x12c: {  	v6 =	vor.u32 $0xB, v4;
	_ =	sdelay $0x3  }
0x12d: {  	v5 =	vnsel vm0, $0x0, v5  }
0x12e: {  	[tilespmem:v6+s25+$0x0] =	vst.idx.msk $0xffff, v5  }
0x12f: {  	v5 =	vld [tilespmem:s1+$0x100]  }
.Ltmp2:
0x130: {  	v4 =	vor.u32 $0xC, v4;
	(pc) =	sbr.rel @p0 .LBB2_6-.Ltmp2, $2  }
0x131: {  	_ =	sdelay $0x2  }
0x132: {  	s16 =	sadd.s32 $0x20, s16;
	v5 =	vnsel vm0, $0x0, v5  }
0x133: {  	_ =	sdelay $0x3  }
0x134: {  	v6 =	vmov s16;
	[tilespmem:v4+s25+$0x0] =	vst.idx.msk $0xffff, v5;
	s0 =	sadd.s32 $0x20, s0  }
0x135: {  	s1 =	sadd.s32 $0x20, s1;
	v4 =	vld [tilespmem:s0+$0xFFFFFFF0];
	v5 =	vshll.u32 v6, $0x7  }
0x136: {  	v6 =	vld [tilespmem:s1+$0xFFFFFEF0];
	v5 =	vor.u32 v3, v5  }
0x137: {  	v7 =	vor.u32 $0xA, v5;
	_ =	sdelay $0x2  }
0x138: {  	vm0 =	vlt.f32 v4, $0.0e+00  }
0x139: {  	v4 =	vnsel vm0, $0x0, v6  }
0x13a: {  	[tilespmem:v7+s25+$0x0] =	vst.idx.msk $0xffff, v4  }
0x13b: {  	v4 =	vld [tilespmem:s1+$0xFFFFFFF0]  }
0x13c: {  	v6 =	vor.u32 $0xB, v5;
	_ =	sdelay $0x3  }
0x13d: {  	v4 =	vnsel vm0, $0x0, v4  }
0x13e: {  	[tilespmem:v6+s25+$0x0] =	vst.idx.msk $0xffff, v4  }
0x13f: {  	v4 =	vld [tilespmem:s1+$0xF0]  }
0x140: {  	v5 =	vor.u32 $0xC, v5;
	_ =	sdelay $0x3  }
0x141: {  	s17 =	sadd.s32 $0x10, s16;
	v4 =	vnsel vm0, $0x0, v4  }
0x142: {  	[tilespmem:v5+s25+$0x0] =	vst.idx.msk $0xffff, v4;
	v4 =	vmov s17  }
0x143: {  	v5 =	vld [tilespmem:s0+$0x0];
	v4 =	vshll.u32 v4, $0x7  }
0x144: {  	v6 =	vld [tilespmem:s1+$0xFFFFFF00];
	v4 =	vor.u32 v3, v4  }
0x145: {  	v7 =	vor.u32 $0xA, v4;
	_ =	sdelay $0x2  }
0x146: {  	vm13 =	vlt.f32 v5, $0.0e+00  }
0x147: {  	v5 =	vnsel vm13, $0x0, v6  }
0x148: {  	[tilespmem:v7+s25+$0x0] =	vst.idx.msk $0xffff, v5  }
0x149: {  	v5 =	vld [tilespmem:s1+$0x0]  }
0x14a: {  	v6 =	vor.u32 $0xB, v4;
	_ =	sdelay $0x3  }
0x14b: {  	v5 =	vnsel vm13, $0x0, v5  }
0x14c: {  	[tilespmem:v6+s25+$0x0] =	vst.idx.msk $0xffff, v5  }
0x14d: {  	v5 =	vld [tilespmem:s1+$0x100]  }
0x14e: {  	v4 =	vor.u32 $0xC, v4;
	_ =	sdelay $0x3  }
0x14f: {  	v5 =	vnsel vm13, $0x0, v5  }
0x150: {  	s18 =	simm.s32 $0x80;
	s0 =	simm.s32 $0x1110;
	[tilespmem:v4+s25+$0x0] =	vst.idx.msk $0xffff, v5  }
0x151: {  	v4 =	vmov s18;
	[hbm4b:s13+s2] =	stream.linear.scatter [tilespmem:s25], [sflag:$0x2], $0x4000, $0x38;
	[tilespmem:$0x9180] =	vst v63  }
0x152: {  	s1 =	simm.s32 $0xC80;
	v4 =	vshll.u32 v4, $0x7;
	v5 =	vld [tilespmem:s0+$0xFFFFFFF0]  }
0x153: {  	v6 =	vld [tilespmem:s1+$0x80];
	v4 =	vor.u32 v3, v4  }
0x154: {  	v7 =	vor.u32 $0xA, v4;
	_ =	sdelay $0x2  }
0x155: {  	s19 =	simm.s32 $0x80;
	vm14 =	vlt.f32 v5, $0.0e+00  }
0x156: {  	s16 =	sand.u32 $0x3FFFFF80, s19;
	v5 =	vnsel vm14, $0x0, v6  }
0x157: {  	s16 =	sadd.s32 $0xC80, s16;
	[tilespmem:v7+s25+$0x0] =	vst.idx.msk $0xffff, v5  }
0x158: {  	v5 =	vld [tilespmem:s16+$0x100]  }
0x159: {  	v6 =	vor.u32 $0xB, v4;
	_ =	sdelay $0x3  }
0x15a: {  	v5 =	vnsel vm14, $0x0, v5  }
0x15b: {  	[tilespmem:v6+s25+$0x0] =	vst.idx.msk $0xffff, v5  }
0x15c: {  	v5 =	vld [tilespmem:s16+$0x200]  }
0x15d: {  	v4 =	vor.u32 $0xC, v4;
	_ =	sdelay $0x3  }
0x15e: {  	s28 =	simm.s32 $0x90;
	v5 =	vnsel vm14, $0x0, v5  }
0x15f: {  	[tilespmem:v4+s25+$0x0] =	vst.idx.msk $0xffff, v5;
	v4 =	vmov s28  }
0x160: {  	v5 =	vld [tilespmem:s0+$0x0];
	v4 =	vshll.u32 v4, $0x7  }
0x161: {  	v6 =	vld [tilespmem:s1+$0x90];
	v4 =	vor.u32 v3, v4  }
0x162: {  	v7 =	vor.u32 $0xA, v4;
	_ =	sdelay $0x2  }
0x163: {  	vm15 =	vlt.f32 v5, $0.0e+00  }
0x164: {  	v5 =	vnsel vm15, $0x0, v6  }
0x165: {  	[tilespmem:v7+s25+$0x0] =	vst.idx.msk $0xffff, v5  }
0x166: {  	v5 =	vld [tilespmem:s1+$0x190]  }
0x167: {  	v6 =	vor.u32 $0xB, v4;
	_ =	sdelay $0x3  }
0x168: {  	v5 =	vnsel vm15, $0x0, v5  }
0x169: {  	[tilespmem:v6+s25+$0x0] =	vst.idx.msk $0xffff, v5  }
0x16a: {  	v5 =	vld [tilespmem:s1+$0x290]  }
0x16b: {  	v4 =	vor.u32 $0xC, v4;
	_ =	sdelay $0x2  }
0x16c: {  	s19 =	simm.s32 $0xA0  }
0x16d: {  	s17 =	simm.s32 $0xA0;
	s18 =	simm.s32 $0xA;
	s16 =	simm.s32 $0xB0;
	v5 =	vnsel vm15, $0x0, v5  }
.LBB2_8:
0x16e: {  	s18 =	sadd.s32 $0x2, s18;
	v6 =	vmov s19;
	[tilespmem:v4+s25+$0x0] =	vst.idx.msk $0xffff, v5;
	s1 =	sadd.s32 $0x20, s1;
	s0 =	sadd.s32 $0x20, s0  }
0x16f: {  	p0 =	slt.u32 s18, $0xE;
	v4 =	vld [tilespmem:s0+$0xFFFFFFF0];
	v5 =	vshll.u32 v6, $0x7  }
0x170: {  	v6 =	vld [tilespmem:s1+$0x80];
	v5 =	vor.u32 v3, v5  }
0x171: {  	v7 =	vor.u32 $0xA, v5;
	_ =	sdelay $0x2  }
0x172: {  	vm0 =	vlt.f32 v4, $0.0e+00  }
0x173: {  	s19 =	sand.u32 $0x3FFFFF80, s17;
	v4 =	vnsel vm0, $0x0, v6  }
0x174: {  	s19 =	sadd.s32 s1, s19;
	[tilespmem:v7+s25+$0x0] =	vst.idx.msk $0xffff, v4  }
0x175: {  	v4 =	vld [tilespmem:s19+$0x100]  }
0x176: {  	v6 =	vor.u32 $0xB, v5;
	_ =	sdelay $0x3  }
0x177: {  	v4 =	vnsel vm0, $0x0, v4  }
0x178: {  	[tilespmem:v6+s25+$0x0] =	vst.idx.msk $0xffff, v4  }
0x179: {  	v4 =	vld [tilespmem:s19+$0x200]  }
0x17a: {  	v5 =	vor.u32 $0xC, v5;
	_ =	sdelay $0x3  }
0x17b: {  	v4 =	vnsel vm0, $0x0, v4  }
0x17c: {  	[tilespmem:v5+s25+$0x0] =	vst.idx.msk $0xffff, v4;
	v4 =	vmov s16  }
0x17d: {  	v5 =	vld [tilespmem:s0+$0x0];
	v4 =	vshll.u32 v4, $0x7  }
0x17e: {  	v6 =	vld [tilespmem:s1+$0x90];
	v4 =	vor.u32 v3, v4  }
0x17f: {  	v7 =	vor.u32 $0xA, v4;
	_ =	sdelay $0x2  }
0x180: {  	vm0 =	vlt.f32 v5, $0.0e+00  }
0x181: {  	v5 =	vnsel vm0, $0x0, v6  }
0x182: {  	[tilespmem:v7+s25+$0x0] =	vst.idx.msk $0xffff, v5  }
0x183: {  	v5 =	vld [tilespmem:s1+$0x190]  }
0x184: {  	v6 =	vor.u32 $0xB, v4;
	_ =	sdelay $0x3  }
0x185: {  	v5 =	vnsel vm0, $0x0, v5  }
0x186: {  	[tilespmem:v6+s25+$0x0] =	vst.idx.msk $0xffff, v5  }
0x187: {  	v5 =	vld [tilespmem:s1+$0x290]  }
.Ltmp3:
0x188: {  	v4 =	vor.u32 $0xC, v4;
	(pc) =	sbr.rel @p0 .LBB2_8-.Ltmp3, $3  }
0x189: {  	_ =	sdelay $0x1  }
0x18a: {  	s16 =	sadd.s32 $0x20, s16  }
0x18b: {  	s17 =	sadd.s32 $0x20, s17;
	s19 =	sadd.s32 $0xFFFFFFF0, s16;
	v5 =	vnsel vm0, $0x0, v5  }
0x18c: {  	_ =	sdelay $0x3  }
0x18d: {  	v6 =	vmov s19;
	[tilespmem:v4+s25+$0x0] =	vst.idx.msk $0xffff, v5;
	s0 =	sadd.s32 $0x20, s0  }
0x18e: {  	s1 =	sadd.s32 $0x20, s1;
	v4 =	vld [tilespmem:s0+$0xFFFFFFF0];
	v5 =	vshll.u32 v6, $0x7  }
0x18f: {  	v60 =	vld [tilespmem:s1+$0x80];
	v5 =	vor.u32 v3, v5  }
0x190: {  	v7 =	vor.u32 $0xA, v5;
	_ =	sdelay $0x2  }
0x191: {  	vm0 =	vlt.f32 v4, $0.0e+00  }
0x192: {  	s17 =	sand.u32 $0x3FFFFF80, s17;
	v4 =	vnsel vm0, $0x0, v60  }
0x193: {  	s17 =	sadd.s32 s1, s17;
	[tilespmem:v7+s25+$0x0] =	vst.idx.msk $0xffff, v4  }
0x194: {  	v4 =	vld [tilespmem:s17+$0x100]  }
0x195: {  	v61 =	vor.u32 $0xB, v5;
	_ =	sdelay $0x3  }
0x196: {  	v4 =	vnsel vm0, $0x0, v4  }
0x197: {  	[tilespmem:v61+s25+$0x0] =	vst.idx.msk $0xffff, v4  }
0x198: {  	v4 =	vld [tilespmem:s17+$0x200]  }
0x199: {  	v5 =	vor.u32 $0xC, v5;
	_ =	sdelay $0x3  }
0x19a: {  	v4 =	vnsel vm0, $0x0, v4  }
0x19b: {  	[tilespmem:v5+s25+$0x0] =	vst.idx.msk $0xffff, v4;
	v4 =	vmov s16  }
0x19c: {  	v5 =	vld [tilespmem:s0+$0x0];
	v4 =	vshll.u32 v4, $0x7  }
0x19d: {  	v6 =	vld [tilespmem:s1+$0x90];
	v4 =	vor.u32 v3, v4  }
0x19e: {  	v62 =	vor.u32 $0xA, v4;
	_ =	sdelay $0x2  }
0x19f: {  	vm15 =	vlt.f32 v5, $0.0e+00  }
0x1a0: {  	v5 =	vnsel vm15, $0x0, v6  }
0x1a1: {  	[tilespmem:v62+s25+$0x0] =	vst.idx.msk $0xffff, v5  }
0x1a2: {  	v5 =	vld [tilespmem:s1+$0x190]  }
0x1a3: {  	v63 =	vor.u32 $0xB, v4;
	_ =	sdelay $0x3  }
0x1a4: {  	v5 =	vnsel vm15, $0x0, v5  }
0x1a5: {  	[tilespmem:v63+s25+$0x0] =	vst.idx.msk $0xffff, v5  }
0x1a6: {  	v5 =	vld [tilespmem:s1+$0x290]  }
0x1a7: {  	v4 =	vor.u32 $0xC, v4;
	_ =	sdelay $0x3  }
0x1a8: {  	v5 =	vnsel vm15, $0x0, v5  }
0x1a9: {  	[tilespmem:v4+s25+$0x0] =	vst.idx.msk $0xffff, v5  }
0x1aa: {  	s31 =	sadd.s32 $0x1, s31;
	_ =	swait.ge [sflag:s23], $0x4000  }
0x1ab: {  	p0 =	sne.s32 s31, s15;
	[sflag:s23] =	ssyncset.done $0x0  }
.Ltmp4:
0x1ac: {  	s28 =	simm.s32 $0x5180;
	[sflag:s23] =	ssyncadd.s32 $0xFFFFC000;
	(pc) =	sbr.rel @p0 .LBB2_1-.Ltmp4, $4  }
0x1ad: {  	[hbm4b:s14+s2] =	stream.linear.scatter [tilespmem:s28], [sflag:$0x4], $0x4000, $0x38;
	[tilespmem:$0x9180] =	vst v63  }
0x1ae: {  	_ =	swait.ge [sflag:s29], $0x4000  }
0x1af: {  	[sflag:s29] =	ssyncset.done $0x0  }
0x1b0: {  	[sflag:s29] =	ssyncadd.s32 $0xFFFFC000  }
0x1b1: {  	_ =	sfence.sel $0x180000  }
0x1b2: {  	[bflag:$0x0] =	sbarrier.arrive $0xFFFF  }
0x1b3: {  	_ =	strace $0x90000047  }
0x1b4: {  	s0 =	stileid.u32;
	[bflag:$0x2] =	sbarrier.arrive $0xFFFF  }
0x1b5: {  	p0 =	sne.s32 s0, $0x0;
	s0 =	rddreg [dreg:$0x2]  }
0x1b6: {  	s0 =	sadd.s32 @!p0 $0x100000, s0  }
0x1b7: {  	[sflag:s0] =	ssyncadd.tile.s32 @!p0 $0x1;
	_ =	shalt  }
.Lfunc_end2:
_tile_overlayer_lowered:
.L_overlay_start_2:
0x1b8: {  	(tag) =	ssettag $0x2  }
0x1b9: {  	s0 =	rddreg [dreg:$0x0];
	s2 =	stileid.u32  }
0x1ba: {  	s1 =	rddreg [dreg:$0x1];
	p0 =	sne.s32 s2, $0x0  }
0x1bb: {  	s3 =	rddreg [dreg:$0x2];
	[bflag:$0x3] =	sbarrier.arrive $0xFFFF;
	s2 =	simm.s32 @!p0 $0x1C04  }
0x1bc: {  	[timem:s3], [sflag:s2] =	dma.local @!p0 [hbm:s0], s1  }
0x1bd: {  	s0 =	simm.s32 @!p0 $0x4  }
0x1be: {  	_ =	swait.ge @!p0 [sflag:s0], s1  }
0x1bf: {  	s1 =	ssub.s32 @!p0 $0x0, s1;
	[sflag:s0] =	ssyncset.done @!p0 $0x0  }
0x1c0: {  	[sflag:s0] =	ssyncadd.s32 @!p0 s1  }
0x1c1: {  	[bflag:$0x3] =	sbarrier.arrive $0xFFFF  }
0x1c2: {  	_ =	shalt  }

</sc_bundles>
